<compile_context>
chip_gen: v7x
topology: tpu7x:2x2x1
jax: 0.10.2.dev20260603
libtpu: 0.0.44.dev20260713+nightly
codegen_flags: <defaults>
</compile_context>

<pallas_src>
import jax
import jax.numpy as jnp
from jax import lax
from jax.experimental import pallas as pl
from jax.experimental.pallas import tpu as pltpu
from jax.experimental.pallas import tpu_sc as plsc

NEG_SLOPE = 0.05

N = 10000
D = 128
E = 320000
V = 8000

NC = 2
NS = 16
NW = NC * NS

CH = 128
K0 = 95
K1 = 62
KMAX = K0
RPT = 632
NROW = NS * RPT

VPAD = 8192
GCH = 128
VK = VPAD // (NW * GCH)

_mesh = plsc.VectorSubcoreMesh(core_axis_name="c", subcore_axis_name="s")


def _scatter_body(x_hbm, col_hbm, row_hbm, zeros_hbm, out_hbm,
                  colv, rowv, rows_a, acc, sem_g):
    cid = lax.axis_index("c")
    sid = lax.axis_index("s")
    wid = cid * NS + sid

    pltpu.sync_copy(zeros_hbm.at[pl.ds(sid * RPT, RPT)],
                    acc.at[pl.ds(sid * RPT, RPT)])
    plsc.subcore_barrier()

    pltpu.sync_copy(col_hbm.at[wid], colv)
    pltpu.sync_copy(row_hbm.at[wid], rowv)

    def group(g, carry):
        pltpu.async_copy(x_hbm.at[colv.at[g]], rows_a, sem_g).wait()
        pltpu.sync_copy(rows_a, acc.at[rowv.at[g]], add=True)
        return carry

    kb = jnp.where(cid == 0, K0, K1)
    lax.fori_loop(0, kb, group, 0)
    plsc.subcore_barrier()

    pltpu.sync_copy(acc.at[pl.ds(sid * RPT, RPT)],
                    out_hbm.at[cid, pl.ds(sid * RPT, RPT)])


_scatter_k = pl.kernel(
    _scatter_body,
    mesh=_mesh,
    out_type=jax.ShapeDtypeStruct((NC, NROW, D), jnp.float32),
    scratch_types=[
        pltpu.VMEM((KMAX, CH), jnp.int32),
        pltpu.VMEM((KMAX, CH), jnp.int32),
        pltpu.VMEM((CH, D), jnp.float32),
        pltpu.VMEM_SHARED((NROW, D), jnp.float32),
        pltpu.SemaphoreType.DMA,
    ],
)


def _combine_body(p0_ref, p1_ref, x_ref, b_ref, o_ref):
    s = p0_ref[...] + p1_ref[...] + x_ref[...] + b_ref[...]
    o_ref[...] = jnp.maximum(s, NEG_SLOPE * s)


def _combine(p0, p1, x, b2):
    blk = 400
    return pl.pallas_call(
        _combine_body,
        grid=(N // blk,),
        in_specs=[
            pl.BlockSpec((blk, D), lambda i: (i, 0)),
            pl.BlockSpec((blk, D), lambda i: (i, 0)),
            pl.BlockSpec((blk, D), lambda i: (i, 0)),
            pl.BlockSpec((1, D), lambda i: (0, 0)),
        ],
        out_specs=pl.BlockSpec((blk, D), lambda i: (i, 0)),
        out_shape=jax.ShapeDtypeStruct((N, D), jnp.float32),
    )(p0, p1, x, b2)


def _gather_body(h_hbm, idx_hbm, out_hbm, idxv, rows_v, sem):
    cid = lax.axis_index("c")
    sid = lax.axis_index("s")
    wid = cid * NS + sid
    pltpu.sync_copy(idx_hbm.at[wid], idxv)

    def chunk(j, carry):
        pltpu.async_copy(h_hbm.at[idxv.at[j]], rows_v, sem).wait()
        pltpu.sync_copy(rows_v,
                        out_hbm.at[pl.ds(wid * VK * GCH + j * GCH, GCH)])
        return carry

    lax.fori_loop(0, VK, chunk, 0)


_gather_k = pl.kernel(
    _gather_body,
    mesh=_mesh,
    out_type=jax.ShapeDtypeStruct((VPAD, D), jnp.float32),
    scratch_types=[
        pltpu.VMEM((VK, GCH), jnp.int32),
        pltpu.VMEM((GCH, D), jnp.float32),
        pltpu.SemaphoreType.DMA,
    ],
)


def _split_core(arr, pad_val):
    e0 = NS * K0 * CH
    e1 = NS * K1 * CH
    a0 = arr[:e0].reshape(NS, K0, CH)
    a1 = jnp.concatenate(
        [arr[e0:], jnp.full((e1 - (E - e0),), pad_val, jnp.int32)])
    a1 = a1.reshape(NS, K1, CH)
    a1 = jnp.concatenate(
        [a1, jnp.zeros((NS, KMAX - K1, CH), jnp.int32)], axis=1)
    return jnp.concatenate([a0, a1], axis=0)


def _prep_edges(edges):
    col = _split_core(edges[1], 0)
    row = _split_core(edges[0], N)
    return col, row


def kernel(embedding, bias, edges1, edges2, idx_mapping):
    col1, row1 = _prep_edges(edges1)
    col2, row2 = _prep_edges(edges2)
    zeros = jnp.zeros((NROW, D), jnp.float32)
    b2 = bias.reshape(1, D)

    p = _scatter_k(embedding, col1, row1, zeros)
    h1 = _combine(p[0], p[1], embedding, b2)
    p2 = _scatter_k(h1, col2, row2, zeros)
    h2 = _combine(p2[0], p2[1], h1, b2)

    idx = jnp.concatenate([idx_mapping, jnp.zeros((VPAD - V,), jnp.int32)])
    out = _gather_k(h2, idx.reshape(NW, VK, GCH))
    return out[:V]

# --- scband reference (transcript-rebuilt; emitter-appended) ---
"""Pipeline reference for scband-ontology-embedding-58703613001787 (READ-ONLY COPY).

The authoritative reference and input builder live on the scoring server;
editing this copy changes nothing except your own understanding.
"""

import jax, jax.numpy as jnp
import numpy as np

NEG_SLOPE = 0.05

def _add_self_loops(edge_index, num_nodes):
    loops = jnp.arange(num_nodes, dtype=edge_index.dtype)
    return jnp.concatenate([edge_index, jnp.stack([loops, loops], axis=0)], axis=1)

def _gtn_conv(x, edge_index, bias):
    num_nodes = x.shape[0]
    ei = _add_self_loops(edge_index, num_nodes)
    row, col = ei[0], ei[1]
    # message: x_j = x[col]; aggregation: scatter-add onto row (dst)
    msgs = jnp.take(x, col, axis=0)
    out = jnp.zeros((num_nodes, x.shape[1]), dtype=x.dtype).at[row].add(msgs)
    out = out + bias
    return jax.nn.leaky_relu(out, negative_slope=NEG_SLOPE)

def setup_inputs(seed: int = 0) -> dict:
    key = jax.random.key(seed)
    k1, k2, k3, k4, k5 = jax.random.split(key, 5)
    n_nodes = 10000
    d = 128
    E = 320000
    V = 8000
    embedding = jax.random.normal(k1, (n_nodes, d), dtype=jnp.float32)
    bias = jax.random.normal(k2, (d,), dtype=jnp.float32)
    edges1 = jax.random.randint(k3, (2, E), 0, n_nodes, dtype=jnp.int64 if jax.config.jax_enable_x64 else jnp.int32).astype(jnp.int32)
    edges2 = jax.random.randint(k4, (2, E), 0, n_nodes, dtype=jnp.int32)
    idx_mapping = jax.random.randint(k5, (V,), 0, n_nodes, dtype=jnp.int32)
    return {"embedding": embedding, "bias": bias, "edges1": edges1, "edges2": edges2, "idx_mapping": idx_mapping}

def reference(embedding, bias, edges1, edges2, idx_mapping):
    # OntologyEmbedding.forward: emb = g(g(embedding, edges1), edges2); return emb[idx_mapping]
    # Same GTNConv module (same bias) applied twice.
    h = _gtn_conv(embedding, edges1, bias)
    h = _gtn_conv(h, edges2, bias)
    return jnp.take(h, idx_mapping, axis=0)

if False:  # reference __main__ guard neutralized (emitter)
    out = reference(**setup_inputs())
    print(out.shape)

if __name__ == "__main__":
    import jax
    _d = setup_inputs()
    print(jax.jit(kernel)(*tuple(_d.values())))

</pallas_src>

<mosaic_0001>
#map = affine_map<(d0, d1) -> (0, 0)>
#map1 = affine_map<(d0, d1) -> (0, 0, 0)>
module attributes {stable_mosaic.version = 14 : i64} {
  func.func @_scatter_body(%arg0: i32, %arg1: i32, %arg2: memref<10000x128xf32, #tpu.memory_space<hbm>>, %arg3: memref<32x95x128xi32, #tpu.memory_space<hbm>>, %arg4: memref<32x95x128xi32, #tpu.memory_space<hbm>>, %arg5: memref<10112x128xf32, #tpu.memory_space<hbm>>, %arg6: memref<2x10112x128xf32, #tpu.memory_space<hbm>>, %arg7: memref<95x128xi32, #tpu.memory_space<vmem>>, %arg8: memref<95x128xi32, #tpu.memory_space<vmem>>, %arg9: memref<128x128xf32, #tpu.memory_space<vmem>>, %arg10: memref<10112x128xf32, #tpu.memory_space<vmem_shared>>, %arg11: memref<!tpu.dma_semaphore, #tpu.memory_space<semaphore_mem>>) attributes {dimension_semantics = [#tpu.dimension_semantics<core_parallel>, #tpu.dimension_semantics<subcore_parallel>], iteration_bounds = array<i64: 2, 16>, scalar_prefetch = 0 : i64, scratch_operands = 5 : i64, tpu.core_type = #tpu.core_type<sc_vector_subcore>, window_params = [{transform_indices = #map}, {transform_indices = #map1}, {transform_indices = #map1}, {transform_indices = #map}, {transform_indices = #map1}]} {
    %mul3A = arith.constant 16 : i32
    %mul3A_0 = arith.muli %arg0, %mul3A : i32
    %add3A = arith.addi %mul3A_0, %arg1 : i32
    %mul3A_1 = arith.constant 632 : i32
    %mul3A_2 = arith.muli %arg1, %mul3A_1 : i32
    %mul3A_3 = arith.constant 632 : i32
    %mul3A_4 = arith.muli %arg1, %mul3A_3 : i32
    "tpu.region"() ({
      %run_scoped3A = tpu.sem_alloc : memref<!tpu.dma_semaphore, #tpu.memory_space<semaphore_mem>>
      %dma_start3A = arith.constant 0 : i32
      %dma_start3A_21 = tpu.memref_slice %arg10[%mul3A_4, %dma_start3A] : memref<10112x128xf32, #tpu.memory_space<vmem_shared>> -> memref<632x128xf32, #tpu.memory_space<vmem_shared>>
      %dma_start3A_22 = arith.constant 0 : i32
      %dma_start3A_23 = tpu.memref_slice %arg5[%mul3A_2, %dma_start3A_22] : memref<10112x128xf32, #tpu.memory_space<hbm>> -> memref<632x128xf32, #tpu.memory_space<hbm>>
      tpu.enqueue_dma source(%dma_start3A_23 : memref<632x128xf32, #tpu.memory_space<hbm>>) target(%dma_start3A_21 : memref<632x128xf32, #tpu.memory_space<vmem_shared>>) target_semaphore(%run_scoped3A : memref<!tpu.dma_semaphore, #tpu.memory_space<semaphore_mem>>)
      %dma_wait3A = arith.constant 0 : i32
      %dma_wait3A_24 = tpu.memref_slice %arg10[%mul3A_4, %dma_wait3A] : memref<10112x128xf32, #tpu.memory_space<vmem_shared>> -> memref<632x128xf32, #tpu.memory_space<vmem_shared>>
      %dma_wait3A_25 = arith.constant 0 : i32
      %dma_wait3A_26 = tpu.memref_slice %arg5[%mul3A_2, %dma_wait3A_25] : memref<10112x128xf32, #tpu.memory_space<hbm>> -> memref<632x128xf32, #tpu.memory_space<hbm>>
      tpu.wait_dma2 semaphore(%run_scoped3A : memref<!tpu.dma_semaphore, #tpu.memory_space<semaphore_mem>>) src(%dma_wait3A_26 : memref<632x128xf32, #tpu.memory_space<hbm>>) dst(%dma_wait3A_24 : memref<632x128xf32, #tpu.memory_space<vmem_shared>>)
      tpu.yield
    }) : () -> ()
    %barrier3A = arith.constant 0 : index
    tpu.barrier barrier_id(%barrier3A)
    "tpu.region"() ({
      %run_scoped3A = tpu.sem_alloc : memref<!tpu.dma_semaphore, #tpu.memory_space<semaphore_mem>>
      %dma_start3A = arith.constant 0 : i32
      %dma_start3A_21 = arith.constant 0 : i32
      %dma_start3A_22 = tpu.memref_slice %arg3[%add3A, %dma_start3A, %dma_start3A_21] : memref<32x95x128xi32, #tpu.memory_space<hbm>> -> memref<1x95x128xi32, #tpu.memory_space<hbm>>
      %dma_start3A_23 = tpu.memref_squeeze %dma_start3A_22 : memref<1x95x128xi32, #tpu.memory_space<hbm>> -> memref<95x128xi32, #tpu.memory_space<hbm>>
      %dma_start3A_24 = arith.constant 0 : i32
      %dma_start3A_25 = arith.constant 0 : i32
      %dma_start3A_26 = tpu.memref_slice %arg3[%add3A, %dma_start3A_24, %dma_start3A_25] : memref<32x95x128xi32, #tpu.memory_space<hbm>> -> memref<1x95x128xi32, #tpu.memory_space<hbm>>
      %dma_start3A_27 = tpu.memref_squeeze %dma_start3A_26 : memref<1x95x128xi32, #tpu.memory_space<hbm>> -> memref<95x128xi32, #tpu.memory_space<hbm>>
      tpu.enqueue_dma source(%dma_start3A_27 : memref<95x128xi32, #tpu.memory_space<hbm>>) target(%arg7 : memref<95x128xi32, #tpu.memory_space<vmem>>) target_semaphore(%run_scoped3A : memref<!tpu.dma_semaphore, #tpu.memory_space<semaphore_mem>>)
      %dma_wait3A = arith.constant 0 : i32
      %dma_wait3A_28 = arith.constant 0 : i32
      %dma_wait3A_29 = tpu.memref_slice %arg3[%add3A, %dma_wait3A, %dma_wait3A_28] : memref<32x95x128xi32, #tpu.memory_space<hbm>> -> memref<1x95x128xi32, #tpu.memory_space<hbm>>
      %dma_wait3A_30 = tpu.memref_squeeze %dma_wait3A_29 : memref<1x95x128xi32, #tpu.memory_space<hbm>> -> memref<95x128xi32, #tpu.memory_space<hbm>>
      %dma_wait3A_31 = arith.constant 0 : i32
      %dma_wait3A_32 = arith.constant 0 : i32
      %dma_wait3A_33 = tpu.memref_slice %arg3[%add3A, %dma_wait3A_31, %dma_wait3A_32] : memref<32x95x128xi32, #tpu.memory_space<hbm>> -> memref<1x95x128xi32, #tpu.memory_space<hbm>>
      %dma_wait3A_34 = tpu.memref_squeeze %dma_wait3A_33 : memref<1x95x128xi32, #tpu.memory_space<hbm>> -> memref<95x128xi32, #tpu.memory_space<hbm>>
      tpu.wait_dma2 semaphore(%run_scoped3A : memref<!tpu.dma_semaphore, #tpu.memory_space<semaphore_mem>>) src(%dma_wait3A_34 : memref<95x128xi32, #tpu.memory_space<hbm>>) dst(%arg7 : memref<95x128xi32, #tpu.memory_space<vmem>>)
      tpu.yield
    }) : () -> ()
    "tpu.region"() ({
      %run_scoped3A = tpu.sem_alloc : memref<!tpu.dma_semaphore, #tpu.memory_space<semaphore_mem>>
      %dma_start3A = arith.constant 0 : i32
      %dma_start3A_21 = arith.constant 0 : i32
      %dma_start3A_22 = tpu.memref_slice %arg4[%add3A, %dma_start3A, %dma_start3A_21] : memref<32x95x128xi32, #tpu.memory_space<hbm>> -> memref<1x95x128xi32, #tpu.memory_space<hbm>>
      %dma_start3A_23 = tpu.memref_squeeze %dma_start3A_22 : memref<1x95x128xi32, #tpu.memory_space<hbm>> -> memref<95x128xi32, #tpu.memory_space<hbm>>
      %dma_start3A_24 = arith.constant 0 : i32
      %dma_start3A_25 = arith.constant 0 : i32
      %dma_start3A_26 = tpu.memref_slice %arg4[%add3A, %dma_start3A_24, %dma_start3A_25] : memref<32x95x128xi32, #tpu.memory_space<hbm>> -> memref<1x95x128xi32, #tpu.memory_space<hbm>>
      %dma_start3A_27 = tpu.memref_squeeze %dma_start3A_26 : memref<1x95x128xi32, #tpu.memory_space<hbm>> -> memref<95x128xi32, #tpu.memory_space<hbm>>
      tpu.enqueue_dma source(%dma_start3A_27 : memref<95x128xi32, #tpu.memory_space<hbm>>) target(%arg8 : memref<95x128xi32, #tpu.memory_space<vmem>>) target_semaphore(%run_scoped3A : memref<!tpu.dma_semaphore, #tpu.memory_space<semaphore_mem>>)
      %dma_wait3A = arith.constant 0 : i32
      %dma_wait3A_28 = arith.constant 0 : i32
      %dma_wait3A_29 = tpu.memref_slice %arg4[%add3A, %dma_wait3A, %dma_wait3A_28] : memref<32x95x128xi32, #tpu.memory_space<hbm>> -> memref<1x95x128xi32, #tpu.memory_space<hbm>>
      %dma_wait3A_30 = tpu.memref_squeeze %dma_wait3A_29 : memref<1x95x128xi32, #tpu.memory_space<hbm>> -> memref<95x128xi32, #tpu.memory_space<hbm>>
      %dma_wait3A_31 = arith.constant 0 : i32
      %dma_wait3A_32 = arith.constant 0 : i32
      %dma_wait3A_33 = tpu.memref_slice %arg4[%add3A, %dma_wait3A_31, %dma_wait3A_32] : memref<32x95x128xi32, #tpu.memory_space<hbm>> -> memref<1x95x128xi32, #tpu.memory_space<hbm>>
      %dma_wait3A_34 = tpu.memref_squeeze %dma_wait3A_33 : memref<1x95x128xi32, #tpu.memory_space<hbm>> -> memref<95x128xi32, #tpu.memory_space<hbm>>
      tpu.wait_dma2 semaphore(%run_scoped3A : memref<!tpu.dma_semaphore, #tpu.memory_space<semaphore_mem>>) src(%dma_wait3A_34 : memref<95x128xi32, #tpu.memory_space<hbm>>) dst(%arg8 : memref<95x128xi32, #tpu.memory_space<vmem>>)
      tpu.yield
    }) : () -> ()
    %eq3A = arith.constant 0 : i32
    %eq3A_5 = arith.cmpi eq, %arg0, %eq3A : i32
    %jit3A = arith.constant 95 : i32
    %jit3A_6 = arith.constant 62 : i32
    %select_n3A = arith.select %eq3A_5, %jit3A, %jit3A_6 : i32
    %while3A = arith.constant 0 : i32
    %while3A_7 = arith.constant 0 : i32
    %while3A_8 = arith.subi %select_n3A, %while3A_7 : i32
    %while3A_9 = arith.addi %while3A_7, %while3A_8 : i32
    %while3A_10 = arith.constant 1 : i32
    %while3A_11 = arith.divsi %while3A_8, %while3A_10 : i32
    %while3A_12 = arith.muli %while3A_11, %while3A_10 : i32
    %while3A_13 = arith.addi %while3A_7, %while3A_12 : i32
    %while3A_14 = arith.constant 1 : i32
    scf.for %while3A_21 = %while3A_7 to %while3A_13 step %while3A_14  : i32 {
      %dma_start3A = arith.constant 0 : i32
      %dma_start3A_22 = tpu.memref_slice %arg7[%while3A_21, %dma_start3A] : memref<95x128xi32, #tpu.memory_space<vmem>> -> memref<1x128xi32, #tpu.memory_space<vmem>>
      %dma_start3A_23 = tpu.memref_squeeze %dma_start3A_22 : memref<1x128xi32, #tpu.memory_space<vmem>> -> memref<128xi32, #tpu.memory_space<vmem>>
      %dma_start3A_24 = arith.constant 0 : i32
      %dma_start3A_25 = arith.constant 0 : i32
      %dma_start3A_26 = tpu.memref_slice %arg2[%dma_start3A_24, %dma_start3A_25] : memref<10000x128xf32, #tpu.memory_space<hbm>> -> memref<10000x128xf32, #tpu.memory_space<hbm>>
      tpu.enqueue_indirect_dma source(%dma_start3A_26 : memref<10000x128xf32, #tpu.memory_space<hbm>>) target(%arg9 : memref<128x128xf32, #tpu.memory_space<vmem>>) offsets(%dma_start3A_23 : memref<128xi32, #tpu.memory_space<vmem>>) semaphore(%arg11 : memref<!tpu.dma_semaphore, #tpu.memory_space<semaphore_mem>>)
      %dma_wait3A = arith.constant 0 : i32
      %dma_wait3A_27 = tpu.memref_slice %arg7[%while3A_21, %dma_wait3A] : memref<95x128xi32, #tpu.memory_space<vmem>> -> memref<1x128xi32, #tpu.memory_space<vmem>>
      %dma_wait3A_28 = tpu.memref_squeeze %dma_wait3A_27 : memref<1x128xi32, #tpu.memory_space<vmem>> -> memref<128xi32, #tpu.memory_space<vmem>>
      %dma_wait3A_29 = arith.constant 0 : i32
      %dma_wait3A_30 = arith.constant 0 : i32
      %dma_wait3A_31 = tpu.memref_slice %arg2[%dma_wait3A_29, %dma_wait3A_30] : memref<10000x128xf32, #tpu.memory_space<hbm>> -> memref<10000x128xf32, #tpu.memory_space<hbm>>
      tpu.wait_indirect_dma semaphore(%arg11 : memref<!tpu.dma_semaphore, #tpu.memory_space<semaphore_mem>>) src(%dma_wait3A_31 : memref<10000x128xf32, #tpu.memory_space<hbm>>) dst(%arg9 : memref<128x128xf32, #tpu.memory_space<vmem>>)
      "tpu.region"() ({
        %run_scoped3A = tpu.sem_alloc : memref<!tpu.dma_semaphore, #tpu.memory_space<semaphore_mem>>
        %dma_start3A_32 = arith.constant 0 : i32
        %dma_start3A_33 = tpu.memref_slice %arg8[%while3A_21, %dma_start3A_32] : memref<95x128xi32, #tpu.memory_space<vmem>> -> memref<1x128xi32, #tpu.memory_space<vmem>>
        %dma_start3A_34 = tpu.memref_squeeze %dma_start3A_33 : memref<1x128xi32, #tpu.memory_space<vmem>> -> memref<128xi32, #tpu.memory_space<vmem>>
        %dma_start3A_35 = arith.constant 0 : i32
        %dma_start3A_36 = arith.constant 0 : i32
        %dma_start3A_37 = tpu.memref_slice %arg10[%dma_start3A_35, %dma_start3A_36] : memref<10112x128xf32, #tpu.memory_space<vmem_shared>> -> memref<10112x128xf32, #tpu.memory_space<vmem_shared>>
        tpu.enqueue_indirect_dma source(%arg9 : memref<128x128xf32, #tpu.memory_space<vmem>>) target(%dma_start3A_37 : memref<10112x128xf32, #tpu.memory_space<vmem_shared>>) offsets(%dma_start3A_34 : memref<128xi32, #tpu.memory_space<vmem>>) semaphore(%run_scoped3A : memref<!tpu.dma_semaphore, #tpu.memory_space<semaphore_mem>>) {add = true}
        %dma_wait3A_38 = arith.constant 0 : i32
        %dma_wait3A_39 = tpu.memref_slice %arg8[%while3A_21, %dma_wait3A_38] : memref<95x128xi32, #tpu.memory_space<vmem>> -> memref<1x128xi32, #tpu.memory_space<vmem>>
        %dma_wait3A_40 = tpu.memref_squeeze %dma_wait3A_39 : memref<1x128xi32, #tpu.memory_space<vmem>> -> memref<128xi32, #tpu.memory_space<vmem>>
        %dma_wait3A_41 = arith.constant 0 : i32
        %dma_wait3A_42 = arith.constant 0 : i32
        %dma_wait3A_43 = tpu.memref_slice %arg10[%dma_wait3A_41, %dma_wait3A_42] : memref<10112x128xf32, #tpu.memory_space<vmem_shared>> -> memref<10112x128xf32, #tpu.memory_space<vmem_shared>>
        tpu.wait_indirect_dma semaphore(%run_scoped3A : memref<!tpu.dma_semaphore, #tpu.memory_space<semaphore_mem>>) src(%arg9 : memref<128x128xf32, #tpu.memory_space<vmem>>) dst(%dma_wait3A_43 : memref<10112x128xf32, #tpu.memory_space<vmem_shared>>)
        tpu.yield
      }) : () -> ()
    }
    %while3A_15 = arith.constant 1 : i32
    scf.for %while3A_21 = %while3A_13 to %while3A_9 step %while3A_15  : i32 {
      %dma_start3A = arith.constant 0 : i32
      %dma_start3A_22 = tpu.memref_slice %arg7[%while3A_21, %dma_start3A] : memref<95x128xi32, #tpu.memory_space<vmem>> -> memref<1x128xi32, #tpu.memory_space<vmem>>
      %dma_start3A_23 = tpu.memref_squeeze %dma_start3A_22 : memref<1x128xi32, #tpu.memory_space<vmem>> -> memref<128xi32, #tpu.memory_space<vmem>>
      %dma_start3A_24 = arith.constant 0 : i32
      %dma_start3A_25 = arith.constant 0 : i32
      %dma_start3A_26 = tpu.memref_slice %arg2[%dma_start3A_24, %dma_start3A_25] : memref<10000x128xf32, #tpu.memory_space<hbm>> -> memref<10000x128xf32, #tpu.memory_space<hbm>>
      tpu.enqueue_indirect_dma source(%dma_start3A_26 : memref<10000x128xf32, #tpu.memory_space<hbm>>) target(%arg9 : memref<128x128xf32, #tpu.memory_space<vmem>>) offsets(%dma_start3A_23 : memref<128xi32, #tpu.memory_space<vmem>>) semaphore(%arg11 : memref<!tpu.dma_semaphore, #tpu.memory_space<semaphore_mem>>)
      %dma_wait3A = arith.constant 0 : i32
      %dma_wait3A_27 = tpu.memref_slice %arg7[%while3A_21, %dma_wait3A] : memref<95x128xi32, #tpu.memory_space<vmem>> -> memref<1x128xi32, #tpu.memory_space<vmem>>
      %dma_wait3A_28 = tpu.memref_squeeze %dma_wait3A_27 : memref<1x128xi32, #tpu.memory_space<vmem>> -> memref<128xi32, #tpu.memory_space<vmem>>
      %dma_wait3A_29 = arith.constant 0 : i32
      %dma_wait3A_30 = arith.constant 0 : i32
      %dma_wait3A_31 = tpu.memref_slice %arg2[%dma_wait3A_29, %dma_wait3A_30] : memref<10000x128xf32, #tpu.memory_space<hbm>> -> memref<10000x128xf32, #tpu.memory_space<hbm>>
      tpu.wait_indirect_dma semaphore(%arg11 : memref<!tpu.dma_semaphore, #tpu.memory_space<semaphore_mem>>) src(%dma_wait3A_31 : memref<10000x128xf32, #tpu.memory_space<hbm>>) dst(%arg9 : memref<128x128xf32, #tpu.memory_space<vmem>>)
      "tpu.region"() ({
        %run_scoped3A = tpu.sem_alloc : memref<!tpu.dma_semaphore, #tpu.memory_space<semaphore_mem>>
        %dma_start3A_32 = arith.constant 0 : i32
        %dma_start3A_33 = tpu.memref_slice %arg8[%while3A_21, %dma_start3A_32] : memref<95x128xi32, #tpu.memory_space<vmem>> -> memref<1x128xi32, #tpu.memory_space<vmem>>
        %dma_start3A_34 = tpu.memref_squeeze %dma_start3A_33 : memref<1x128xi32, #tpu.memory_space<vmem>> -> memref<128xi32, #tpu.memory_space<vmem>>
        %dma_start3A_35 = arith.constant 0 : i32
        %dma_start3A_36 = arith.constant 0 : i32
        %dma_start3A_37 = tpu.memref_slice %arg10[%dma_start3A_35, %dma_start3A_36] : memref<10112x128xf32, #tpu.memory_space<vmem_shared>> -> memref<10112x128xf32, #tpu.memory_space<vmem_shared>>
        tpu.enqueue_indirect_dma source(%arg9 : memref<128x128xf32, #tpu.memory_space<vmem>>) target(%dma_start3A_37 : memref<10112x128xf32, #tpu.memory_space<vmem_shared>>) offsets(%dma_start3A_34 : memref<128xi32, #tpu.memory_space<vmem>>) semaphore(%run_scoped3A : memref<!tpu.dma_semaphore, #tpu.memory_space<semaphore_mem>>) {add = true}
        %dma_wait3A_38 = arith.constant 0 : i32
        %dma_wait3A_39 = tpu.memref_slice %arg8[%while3A_21, %dma_wait3A_38] : memref<95x128xi32, #tpu.memory_space<vmem>> -> memref<1x128xi32, #tpu.memory_space<vmem>>
        %dma_wait3A_40 = tpu.memref_squeeze %dma_wait3A_39 : memref<1x128xi32, #tpu.memory_space<vmem>> -> memref<128xi32, #tpu.memory_space<vmem>>
        %dma_wait3A_41 = arith.constant 0 : i32
        %dma_wait3A_42 = arith.constant 0 : i32
        %dma_wait3A_43 = tpu.memref_slice %arg10[%dma_wait3A_41, %dma_wait3A_42] : memref<10112x128xf32, #tpu.memory_space<vmem_shared>> -> memref<10112x128xf32, #tpu.memory_space<vmem_shared>>
        tpu.wait_indirect_dma semaphore(%run_scoped3A : memref<!tpu.dma_semaphore, #tpu.memory_space<semaphore_mem>>) src(%arg9 : memref<128x128xf32, #tpu.memory_space<vmem>>) dst(%dma_wait3A_43 : memref<10112x128xf32, #tpu.memory_space<vmem_shared>>)
        tpu.yield
      }) : () -> ()
    }
    %barrier3A_16 = arith.constant 0 : index
    tpu.barrier barrier_id(%barrier3A_16)
    %mul3A_17 = arith.constant 632 : i32
    %mul3A_18 = arith.muli %arg1, %mul3A_17 : i32
    %mul3A_19 = arith.constant 632 : i32
    %mul3A_20 = arith.muli %arg1, %mul3A_19 : i32
    "tpu.region"() ({
      %run_scoped3A = tpu.sem_alloc : memref<!tpu.dma_semaphore, #tpu.memory_space<semaphore_mem>>
      %dma_start3A = arith.constant 0 : i32
      %dma_start3A_21 = tpu.memref_slice %arg6[%arg0, %mul3A_20, %dma_start3A] : memref<2x10112x128xf32, #tpu.memory_space<hbm>> -> memref<1x632x128xf32, #tpu.memory_space<hbm>>
      %dma_start3A_22 = tpu.memref_squeeze %dma_start3A_21 : memref<1x632x128xf32, #tpu.memory_space<hbm>> -> memref<632x128xf32, #tpu.memory_space<hbm>>
      %dma_start3A_23 = arith.constant 0 : i32
      %dma_start3A_24 = tpu.memref_slice %arg10[%mul3A_18, %dma_start3A_23] : memref<10112x128xf32, #tpu.memory_space<vmem_shared>> -> memref<632x128xf32, #tpu.memory_space<vmem_shared>>
      tpu.enqueue_dma source(%dma_start3A_24 : memref<632x128xf32, #tpu.memory_space<vmem_shared>>) target(%dma_start3A_22 : memref<632x128xf32, #tpu.memory_space<hbm>>) target_semaphore(%run_scoped3A : memref<!tpu.dma_semaphore, #tpu.memory_space<semaphore_mem>>)
      %dma_wait3A = arith.constant 0 : i32
      %dma_wait3A_25 = tpu.memref_slice %arg6[%arg0, %mul3A_20, %dma_wait3A] : memref<2x10112x128xf32, #tpu.memory_space<hbm>> -> memref<1x632x128xf32, #tpu.memory_space<hbm>>
      %dma_wait3A_26 = tpu.memref_squeeze %dma_wait3A_25 : memref<1x632x128xf32, #tpu.memory_space<hbm>> -> memref<632x128xf32, #tpu.memory_space<hbm>>
      %dma_wait3A_27 = arith.constant 0 : i32
      %dma_wait3A_28 = tpu.memref_slice %arg10[%mul3A_18, %dma_wait3A_27] : memref<10112x128xf32, #tpu.memory_space<vmem_shared>> -> memref<632x128xf32, #tpu.memory_space<vmem_shared>>
      tpu.wait_dma2 semaphore(%run_scoped3A : memref<!tpu.dma_semaphore, #tpu.memory_space<semaphore_mem>>) src(%dma_wait3A_28 : memref<632x128xf32, #tpu.memory_space<vmem_shared>>) dst(%dma_wait3A_26 : memref<632x128xf32, #tpu.memory_space<hbm>>)
      tpu.yield
    }) : () -> ()
    return
  }
}

#map = affine_map<(d0, d1) -> (0, 0)>
#map1 = affine_map<(d0, d1) -> (0, 0, 0)>
module attributes {stable_mosaic.version = 14 : i64} {
  func.func @_scatter_body(%arg0: i32, %arg1: i32, %arg2: memref<10000x128xf32, #tpu.memory_space<hbm>>, %arg3: memref<32x95x128xi32, #tpu.memory_space<hbm>>, %arg4: memref<32x95x128xi32, #tpu.memory_space<hbm>>, %arg5: memref<10112x128xf32, #tpu.memory_space<hbm>>, %arg6: memref<2x10112x128xf32, #tpu.memory_space<hbm>>, %arg7: memref<95x128xi32, #tpu.memory_space<vmem>>, %arg8: memref<95x128xi32, #tpu.memory_space<vmem>>, %arg9: memref<128x128xf32, #tpu.memory_space<vmem>>, %arg10: memref<10112x128xf32, #tpu.memory_space<vmem_shared>>, %arg11: memref<!tpu.dma_semaphore, #tpu.memory_space<semaphore_mem>>) attributes {dimension_semantics = [#tpu.dimension_semantics<core_parallel>, #tpu.dimension_semantics<subcore_parallel>], iteration_bounds = array<i64: 2, 16>, scalar_prefetch = 0 : i64, scratch_operands = 5 : i64, tpu.core_type = #tpu.core_type<sc_vector_subcore>, window_params = [{transform_indices = #map}, {transform_indices = #map1}, {transform_indices = #map1}, {transform_indices = #map}, {transform_indices = #map1}]} {
    %mul3A = arith.constant 16 : i32
    %mul3A_0 = arith.muli %arg0, %mul3A : i32
    %add3A = arith.addi %mul3A_0, %arg1 : i32
    %mul3A_1 = arith.constant 632 : i32
    %mul3A_2 = arith.muli %arg1, %mul3A_1 : i32
    %mul3A_3 = arith.constant 632 : i32
    %mul3A_4 = arith.muli %arg1, %mul3A_3 : i32
    "tpu.region"() ({
      %run_scoped3A = tpu.sem_alloc : memref<!tpu.dma_semaphore, #tpu.memory_space<semaphore_mem>>
      %dma_start3A = arith.constant 0 : i32
      %dma_start3A_21 = tpu.memref_slice %arg10[%mul3A_4, %dma_start3A] : memref<10112x128xf32, #tpu.memory_space<vmem_shared>> -> memref<632x128xf32, #tpu.memory_space<vmem_shared>>
      %dma_start3A_22 = arith.constant 0 : i32
      %dma_start3A_23 = tpu.memref_slice %arg5[%mul3A_2, %dma_start3A_22] : memref<10112x128xf32, #tpu.memory_space<hbm>> -> memref<632x128xf32, #tpu.memory_space<hbm>>
      tpu.enqueue_dma source(%dma_start3A_23 : memref<632x128xf32, #tpu.memory_space<hbm>>) target(%dma_start3A_21 : memref<632x128xf32, #tpu.memory_space<vmem_shared>>) target_semaphore(%run_scoped3A : memref<!tpu.dma_semaphore, #tpu.memory_space<semaphore_mem>>)
      %dma_wait3A = arith.constant 0 : i32
      %dma_wait3A_24 = tpu.memref_slice %arg10[%mul3A_4, %dma_wait3A] : memref<10112x128xf32, #tpu.memory_space<vmem_shared>> -> memref<632x128xf32, #tpu.memory_space<vmem_shared>>
      %dma_wait3A_25 = arith.constant 0 : i32
      %dma_wait3A_26 = tpu.memref_slice %arg5[%mul3A_2, %dma_wait3A_25] : memref<10112x128xf32, #tpu.memory_space<hbm>> -> memref<632x128xf32, #tpu.memory_space<hbm>>
      tpu.wait_dma2 semaphore(%run_scoped3A : memref<!tpu.dma_semaphore, #tpu.memory_space<semaphore_mem>>) src(%dma_wait3A_26 : memref<632x128xf32, #tpu.memory_space<hbm>>) dst(%dma_wait3A_24 : memref<632x128xf32, #tpu.memory_space<vmem_shared>>)
      tpu.yield
    }) : () -> ()
    %barrier3A = arith.constant 0 : index
    tpu.barrier barrier_id(%barrier3A)
    "tpu.region"() ({
      %run_scoped3A = tpu.sem_alloc : memref<!tpu.dma_semaphore, #tpu.memory_space<semaphore_mem>>
      %dma_start3A = arith.constant 0 : i32
      %dma_start3A_21 = arith.constant 0 : i32
      %dma_start3A_22 = tpu.memref_slice %arg3[%add3A, %dma_start3A, %dma_start3A_21] : memref<32x95x128xi32, #tpu.memory_space<hbm>> -> memref<1x95x128xi32, #tpu.memory_space<hbm>>
      %dma_start3A_23 = tpu.memref_squeeze %dma_start3A_22 : memref<1x95x128xi32, #tpu.memory_space<hbm>> -> memref<95x128xi32, #tpu.memory_space<hbm>>
      %dma_start3A_24 = arith.constant 0 : i32
      %dma_start3A_25 = arith.constant 0 : i32
      %dma_start3A_26 = tpu.memref_slice %arg3[%add3A, %dma_start3A_24, %dma_start3A_25] : memref<32x95x128xi32, #tpu.memory_space<hbm>> -> memref<1x95x128xi32, #tpu.memory_space<hbm>>
      %dma_start3A_27 = tpu.memref_squeeze %dma_start3A_26 : memref<1x95x128xi32, #tpu.memory_space<hbm>> -> memref<95x128xi32, #tpu.memory_space<hbm>>
      tpu.enqueue_dma source(%dma_start3A_27 : memref<95x128xi32, #tpu.memory_space<hbm>>) target(%arg7 : memref<95x128xi32, #tpu.memory_space<vmem>>) target_semaphore(%run_scoped3A : memref<!tpu.dma_semaphore, #tpu.memory_space<semaphore_mem>>)
      %dma_wait3A = arith.constant 0 : i32
      %dma_wait3A_28 = arith.constant 0 : i32
      %dma_wait3A_29 = tpu.memref_slice %arg3[%add3A, %dma_wait3A, %dma_wait3A_28] : memref<32x95x128xi32, #tpu.memory_space<hbm>> -> memref<1x95x128xi32, #tpu.memory_space<hbm>>
      %dma_wait3A_30 = tpu.memref_squeeze %dma_wait3A_29 : memref<1x95x128xi32, #tpu.memory_space<hbm>> -> memref<95x128xi32, #tpu.memory_space<hbm>>
      %dma_wait3A_31 = arith.constant 0 : i32
      %dma_wait3A_32 = arith.constant 0 : i32
      %dma_wait3A_33 = tpu.memref_slice %arg3[%add3A, %dma_wait3A_31, %dma_wait3A_32] : memref<32x95x128xi32, #tpu.memory_space<hbm>> -> memref<1x95x128xi32, #tpu.memory_space<hbm>>
      %dma_wait3A_34 = tpu.memref_squeeze %dma_wait3A_33 : memref<1x95x128xi32, #tpu.memory_space<hbm>> -> memref<95x128xi32, #tpu.memory_space<hbm>>
      tpu.wait_dma2 semaphore(%run_scoped3A : memref<!tpu.dma_semaphore, #tpu.memory_space<semaphore_mem>>) src(%dma_wait3A_34 : memref<95x128xi32, #tpu.memory_space<hbm>>) dst(%arg7 : memref<95x128xi32, #tpu.memory_space<vmem>>)
      tpu.yield
    }) : () -> ()
    "tpu.region"() ({
      %run_scoped3A = tpu.sem_alloc : memref<!tpu.dma_semaphore, #tpu.memory_space<semaphore_mem>>
      %dma_start3A = arith.constant 0 : i32
      %dma_start3A_21 = arith.constant 0 : i32
      %dma_start3A_22 = tpu.memref_slice %arg4[%add3A, %dma_start3A, %dma_start3A_21] : memref<32x95x128xi32, #tpu.memory_space<hbm>> -> memref<1x95x128xi32, #tpu.memory_space<hbm>>
      %dma_start3A_23 = tpu.memref_squeeze %dma_start3A_22 : memref<1x95x128xi32, #tpu.memory_space<hbm>> -> memref<95x128xi32, #tpu.memory_space<hbm>>
      %dma_start3A_24 = arith.constant 0 : i32
      %dma_start3A_25 = arith.constant 0 : i32
      %dma_start3A_26 = tpu.memref_slice %arg4[%add3A, %dma_start3A_24, %dma_start3A_25] : memref<32x95x128xi32, #tpu.memory_space<hbm>> -> memref<1x95x128xi32, #tpu.memory_space<hbm>>
      %dma_start3A_27 = tpu.memref_squeeze %dma_start3A_26 : memref<1x95x128xi32, #tpu.memory_space<hbm>> -> memref<95x128xi32, #tpu.memory_space<hbm>>
      tpu.enqueue_dma source(%dma_start3A_27 : memref<95x128xi32, #tpu.memory_space<hbm>>) target(%arg8 : memref<95x128xi32, #tpu.memory_space<vmem>>) target_semaphore(%run_scoped3A : memref<!tpu.dma_semaphore, #tpu.memory_space<semaphore_mem>>)
      %dma_wait3A = arith.constant 0 : i32
      %dma_wait3A_28 = arith.constant 0 : i32
      %dma_wait3A_29 = tpu.memref_slice %arg4[%add3A, %dma_wait3A, %dma_wait3A_28] : memref<32x95x128xi32, #tpu.memory_space<hbm>> -> memref<1x95x128xi32, #tpu.memory_space<hbm>>
      %dma_wait3A_30 = tpu.memref_squeeze %dma_wait3A_29 : memref<1x95x128xi32, #tpu.memory_space<hbm>> -> memref<95x128xi32, #tpu.memory_space<hbm>>
      %dma_wait3A_31 = arith.constant 0 : i32
      %dma_wait3A_32 = arith.constant 0 : i32
      %dma_wait3A_33 = tpu.memref_slice %arg4[%add3A, %dma_wait3A_31, %dma_wait3A_32] : memref<32x95x128xi32, #tpu.memory_space<hbm>> -> memref<1x95x128xi32, #tpu.memory_space<hbm>>
      %dma_wait3A_34 = tpu.memref_squeeze %dma_wait3A_33 : memref<1x95x128xi32, #tpu.memory_space<hbm>> -> memref<95x128xi32, #tpu.memory_space<hbm>>
      tpu.wait_dma2 semaphore(%run_scoped3A : memref<!tpu.dma_semaphore, #tpu.memory_space<semaphore_mem>>) src(%dma_wait3A_34 : memref<95x128xi32, #tpu.memory_space<hbm>>) dst(%arg8 : memref<95x128xi32, #tpu.memory_space<vmem>>)
      tpu.yield
    }) : () -> ()
    %eq3A = arith.constant 0 : i32
    %eq3A_5 = arith.cmpi eq, %arg0, %eq3A : i32
    %jit3A = arith.constant 95 : i32
    %jit3A_6 = arith.constant 62 : i32
    %select_n3A = arith.select %eq3A_5, %jit3A, %jit3A_6 : i32
    %while3A = arith.constant 0 : i32
    %while3A_7 = arith.constant 0 : i32
    %while3A_8 = arith.subi %select_n3A, %while3A_7 : i32
    %while3A_9 = arith.addi %while3A_7, %while3A_8 : i32
    %while3A_10 = arith.constant 1 : i32
    %while3A_11 = arith.divsi %while3A_8, %while3A_10 : i32
    %while3A_12 = arith.muli %while3A_11, %while3A_10 : i32
    %while3A_13 = arith.addi %while3A_7, %while3A_12 : i32
    %while3A_14 = arith.constant 1 : i32
    scf.for %while3A_21 = %while3A_7 to %while3A_13 step %while3A_14  : i32 {
      %dma_start3A = arith.constant 0 : i32
      %dma_start3A_22 = tpu.memref_slice %arg7[%while3A_21, %dma_start3A] : memref<95x128xi32, #tpu.memory_space<vmem>> -> memref<1x128xi32, #tpu.memory_space<vmem>>
      %dma_start3A_23 = tpu.memref_squeeze %dma_start3A_22 : memref<1x128xi32, #tpu.memory_space<vmem>> -> memref<128xi32, #tpu.memory_space<vmem>>
      %dma_start3A_24 = arith.constant 0 : i32
      %dma_start3A_25 = arith.constant 0 : i32
      %dma_start3A_26 = tpu.memref_slice %arg2[%dma_start3A_24, %dma_start3A_25] : memref<10000x128xf32, #tpu.memory_space<hbm>> -> memref<10000x128xf32, #tpu.memory_space<hbm>>
      tpu.enqueue_indirect_dma source(%dma_start3A_26 : memref<10000x128xf32, #tpu.memory_space<hbm>>) target(%arg9 : memref<128x128xf32, #tpu.memory_space<vmem>>) offsets(%dma_start3A_23 : memref<128xi32, #tpu.memory_space<vmem>>) semaphore(%arg11 : memref<!tpu.dma_semaphore, #tpu.memory_space<semaphore_mem>>)
      %dma_wait3A = arith.constant 0 : i32
      %dma_wait3A_27 = tpu.memref_slice %arg7[%while3A_21, %dma_wait3A] : memref<95x128xi32, #tpu.memory_space<vmem>> -> memref<1x128xi32, #tpu.memory_space<vmem>>
      %dma_wait3A_28 = tpu.memref_squeeze %dma_wait3A_27 : memref<1x128xi32, #tpu.memory_space<vmem>> -> memref<128xi32, #tpu.memory_space<vmem>>
      %dma_wait3A_29 = arith.constant 0 : i32
      %dma_wait3A_30 = arith.constant 0 : i32
      %dma_wait3A_31 = tpu.memref_slice %arg2[%dma_wait3A_29, %dma_wait3A_30] : memref<10000x128xf32, #tpu.memory_space<hbm>> -> memref<10000x128xf32, #tpu.memory_space<hbm>>
      tpu.wait_indirect_dma semaphore(%arg11 : memref<!tpu.dma_semaphore, #tpu.memory_space<semaphore_mem>>) src(%dma_wait3A_31 : memref<10000x128xf32, #tpu.memory_space<hbm>>) dst(%arg9 : memref<128x128xf32, #tpu.memory_space<vmem>>)
      "tpu.region"() ({
        %run_scoped3A = tpu.sem_alloc : memref<!tpu.dma_semaphore, #tpu.memory_space<semaphore_mem>>
        %dma_start3A_32 = arith.constant 0 : i32
        %dma_start3A_33 = tpu.memref_slice %arg8[%while3A_21, %dma_start3A_32] : memref<95x128xi32, #tpu.memory_space<vmem>> -> memref<1x128xi32, #tpu.memory_space<vmem>>
        %dma_start3A_34 = tpu.memref_squeeze %dma_start3A_33 : memref<1x128xi32, #tpu.memory_space<vmem>> -> memref<128xi32, #tpu.memory_space<vmem>>
        %dma_start3A_35 = arith.constant 0 : i32
        %dma_start3A_36 = arith.constant 0 : i32
        %dma_start3A_37 = tpu.memref_slice %arg10[%dma_start3A_35, %dma_start3A_36] : memref<10112x128xf32, #tpu.memory_space<vmem_shared>> -> memref<10112x128xf32, #tpu.memory_space<vmem_shared>>
        tpu.enqueue_indirect_dma source(%arg9 : memref<128x128xf32, #tpu.memory_space<vmem>>) target(%dma_start3A_37 : memref<10112x128xf32, #tpu.memory_space<vmem_shared>>) offsets(%dma_start3A_34 : memref<128xi32, #tpu.memory_space<vmem>>) semaphore(%run_scoped3A : memref<!tpu.dma_semaphore, #tpu.memory_space<semaphore_mem>>) {add = true}
        %dma_wait3A_38 = arith.constant 0 : i32
        %dma_wait3A_39 = tpu.memref_slice %arg8[%while3A_21, %dma_wait3A_38] : memref<95x128xi32, #tpu.memory_space<vmem>> -> memref<1x128xi32, #tpu.memory_space<vmem>>
        %dma_wait3A_40 = tpu.memref_squeeze %dma_wait3A_39 : memref<1x128xi32, #tpu.memory_space<vmem>> -> memref<128xi32, #tpu.memory_space<vmem>>
        %dma_wait3A_41 = arith.constant 0 : i32
        %dma_wait3A_42 = arith.constant 0 : i32
        %dma_wait3A_43 = tpu.memref_slice %arg10[%dma_wait3A_41, %dma_wait3A_42] : memref<10112x128xf32, #tpu.memory_space<vmem_shared>> -> memref<10112x128xf32, #tpu.memory_space<vmem_shared>>
        tpu.wait_indirect_dma semaphore(%run_scoped3A : memref<!tpu.dma_semaphore, #tpu.memory_space<semaphore_mem>>) src(%arg9 : memref<128x128xf32, #tpu.memory_space<vmem>>) dst(%dma_wait3A_43 : memref<10112x128xf32, #tpu.memory_space<vmem_shared>>)
        tpu.yield
      }) : () -> ()
    }
    %while3A_15 = arith.constant 1 : i32
    scf.for %while3A_21 = %while3A_13 to %while3A_9 step %while3A_15  : i32 {
      %dma_start3A = arith.constant 0 : i32
      %dma_start3A_22 = tpu.memref_slice %arg7[%while3A_21, %dma_start3A] : memref<95x128xi32, #tpu.memory_space<vmem>> -> memref<1x128xi32, #tpu.memory_space<vmem>>
      %dma_start3A_23 = tpu.memref_squeeze %dma_start3A_22 : memref<1x128xi32, #tpu.memory_space<vmem>> -> memref<128xi32, #tpu.memory_space<vmem>>
      %dma_start3A_24 = arith.constant 0 : i32
      %dma_start3A_25 = arith.constant 0 : i32
      %dma_start3A_26 = tpu.memref_slice %arg2[%dma_start3A_24, %dma_start3A_25] : memref<10000x128xf32, #tpu.memory_space<hbm>> -> memref<10000x128xf32, #tpu.memory_space<hbm>>
      tpu.enqueue_indirect_dma source(%dma_start3A_26 : memref<10000x128xf32, #tpu.memory_space<hbm>>) target(%arg9 : memref<128x128xf32, #tpu.memory_space<vmem>>) offsets(%dma_start3A_23 : memref<128xi32, #tpu.memory_space<vmem>>) semaphore(%arg11 : memref<!tpu.dma_semaphore, #tpu.memory_space<semaphore_mem>>)
      %dma_wait3A = arith.constant 0 : i32
      %dma_wait3A_27 = tpu.memref_slice %arg7[%while3A_21, %dma_wait3A] : memref<95x128xi32, #tpu.memory_space<vmem>> -> memref<1x128xi32, #tpu.memory_space<vmem>>
      %dma_wait3A_28 = tpu.memref_squeeze %dma_wait3A_27 : memref<1x128xi32, #tpu.memory_space<vmem>> -> memref<128xi32, #tpu.memory_space<vmem>>
      %dma_wait3A_29 = arith.constant 0 : i32
      %dma_wait3A_30 = arith.constant 0 : i32
      %dma_wait3A_31 = tpu.memref_slice %arg2[%dma_wait3A_29, %dma_wait3A_30] : memref<10000x128xf32, #tpu.memory_space<hbm>> -> memref<10000x128xf32, #tpu.memory_space<hbm>>
      tpu.wait_indirect_dma semaphore(%arg11 : memref<!tpu.dma_semaphore, #tpu.memory_space<semaphore_mem>>) src(%dma_wait3A_31 : memref<10000x128xf32, #tpu.memory_space<hbm>>) dst(%arg9 : memref<128x128xf32, #tpu.memory_space<vmem>>)
      "tpu.region"() ({
        %run_scoped3A = tpu.sem_alloc : memref<!tpu.dma_semaphore, #tpu.memory_space<semaphore_mem>>
        %dma_start3A_32 = arith.constant 0 : i32
        %dma_start3A_33 = tpu.memref_slice %arg8[%while3A_21, %dma_start3A_32] : memref<95x128xi32, #tpu.memory_space<vmem>> -> memref<1x128xi32, #tpu.memory_space<vmem>>
        %dma_start3A_34 = tpu.memref_squeeze %dma_start3A_33 : memref<1x128xi32, #tpu.memory_space<vmem>> -> memref<128xi32, #tpu.memory_space<vmem>>
        %dma_start3A_35 = arith.constant 0 : i32
        %dma_start3A_36 = arith.constant 0 : i32
        %dma_start3A_37 = tpu.memref_slice %arg10[%dma_start3A_35, %dma_start3A_36] : memref<10112x128xf32, #tpu.memory_space<vmem_shared>> -> memref<10112x128xf32, #tpu.memory_space<vmem_shared>>
        tpu.enqueue_indirect_dma source(%arg9 : memref<128x128xf32, #tpu.memory_space<vmem>>) target(%dma_start3A_37 : memref<10112x128xf32, #tpu.memory_space<vmem_shared>>) offsets(%dma_start3A_34 : memref<128xi32, #tpu.memory_space<vmem>>) semaphore(%run_scoped3A : memref<!tpu.dma_semaphore, #tpu.memory_space<semaphore_mem>>) {add = true}
        %dma_wait3A_38 = arith.constant 0 : i32
        %dma_wait3A_39 = tpu.memref_slice %arg8[%while3A_21, %dma_wait3A_38] : memref<95x128xi32, #tpu.memory_space<vmem>> -> memref<1x128xi32, #tpu.memory_space<vmem>>
        %dma_wait3A_40 = tpu.memref_squeeze %dma_wait3A_39 : memref<1x128xi32, #tpu.memory_space<vmem>> -> memref<128xi32, #tpu.memory_space<vmem>>
        %dma_wait3A_41 = arith.constant 0 : i32
        %dma_wait3A_42 = arith.constant 0 : i32
        %dma_wait3A_43 = tpu.memref_slice %arg10[%dma_wait3A_41, %dma_wait3A_42] : memref<10112x128xf32, #tpu.memory_space<vmem_shared>> -> memref<10112x128xf32, #tpu.memory_space<vmem_shared>>
        tpu.wait_indirect_dma semaphore(%run_scoped3A : memref<!tpu.dma_semaphore, #tpu.memory_space<semaphore_mem>>) src(%arg9 : memref<128x128xf32, #tpu.memory_space<vmem>>) dst(%dma_wait3A_43 : memref<10112x128xf32, #tpu.memory_space<vmem_shared>>)
        tpu.yield
      }) : () -> ()
    }
    %barrier3A_16 = arith.constant 0 : index
    tpu.barrier barrier_id(%barrier3A_16)
    %mul3A_17 = arith.constant 632 : i32
    %mul3A_18 = arith.muli %arg1, %mul3A_17 : i32
    %mul3A_19 = arith.constant 632 : i32
    %mul3A_20 = arith.muli %arg1, %mul3A_19 : i32
    "tpu.region"() ({
      %run_scoped3A = tpu.sem_alloc : memref<!tpu.dma_semaphore, #tpu.memory_space<semaphore_mem>>
      %dma_start3A = arith.constant 0 : i32
      %dma_start3A_21 = tpu.memref_slice %arg6[%arg0, %mul3A_20, %dma_start3A] : memref<2x10112x128xf32, #tpu.memory_space<hbm>> -> memref<1x632x128xf32, #tpu.memory_space<hbm>>
      %dma_start3A_22 = tpu.memref_squeeze %dma_start3A_21 : memref<1x632x128xf32, #tpu.memory_space<hbm>> -> memref<632x128xf32, #tpu.memory_space<hbm>>
      %dma_start3A_23 = arith.constant 0 : i32
      %dma_start3A_24 = tpu.memref_slice %arg10[%mul3A_18, %dma_start3A_23] : memref<10112x128xf32, #tpu.memory_space<vmem_shared>> -> memref<632x128xf32, #tpu.memory_space<vmem_shared>>
      tpu.enqueue_dma source(%dma_start3A_24 : memref<632x128xf32, #tpu.memory_space<vmem_shared>>) target(%dma_start3A_22 : memref<632x128xf32, #tpu.memory_space<hbm>>) target_semaphore(%run_scoped3A : memref<!tpu.dma_semaphore, #tpu.memory_space<semaphore_mem>>)
      %dma_wait3A = arith.constant 0 : i32
      %dma_wait3A_25 = tpu.memref_slice %arg6[%arg0, %mul3A_20, %dma_wait3A] : memref<2x10112x128xf32, #tpu.memory_space<hbm>> -> memref<1x632x128xf32, #tpu.memory_space<hbm>>
      %dma_wait3A_26 = tpu.memref_squeeze %dma_wait3A_25 : memref<1x632x128xf32, #tpu.memory_space<hbm>> -> memref<632x128xf32, #tpu.memory_space<hbm>>
      %dma_wait3A_27 = arith.constant 0 : i32
      %dma_wait3A_28 = tpu.memref_slice %arg10[%mul3A_18, %dma_wait3A_27] : memref<10112x128xf32, #tpu.memory_space<vmem_shared>> -> memref<632x128xf32, #tpu.memory_space<vmem_shared>>
      tpu.wait_dma2 semaphore(%run_scoped3A : memref<!tpu.dma_semaphore, #tpu.memory_space<semaphore_mem>>) src(%dma_wait3A_28 : memref<632x128xf32, #tpu.memory_space<vmem_shared>>) dst(%dma_wait3A_26 : memref<632x128xf32, #tpu.memory_space<hbm>>)
      tpu.yield
    }) : () -> ()
    return
  }
}

#map = affine_map<(d0, d1) -> (0, 0)>
#map1 = affine_map<(d0, d1) -> (0, 0, 0)>
module attributes {stable_mosaic.version = 14 : i64} {
  func.func @_gather_body(%arg0: i32, %arg1: i32, %arg2: memref<10000x128xf32, #tpu.memory_space<hbm>>, %arg3: memref<32x2x128xi32, #tpu.memory_space<hbm>>, %arg4: memref<8192x128xf32, #tpu.memory_space<hbm>>, %arg5: memref<2x128xi32, #tpu.memory_space<vmem>>, %arg6: memref<128x128xf32, #tpu.memory_space<vmem>>, %arg7: memref<!tpu.dma_semaphore, #tpu.memory_space<semaphore_mem>>) attributes {dimension_semantics = [#tpu.dimension_semantics<core_parallel>, #tpu.dimension_semantics<subcore_parallel>], iteration_bounds = array<i64: 2, 16>, scalar_prefetch = 0 : i64, scratch_operands = 3 : i64, tpu.core_type = #tpu.core_type<sc_vector_subcore>, window_params = [{transform_indices = #map}, {transform_indices = #map1}, {transform_indices = #map}]} {
    %mul3A = arith.constant 16 : i32
    %mul3A_0 = arith.muli %arg0, %mul3A : i32
    %add3A = arith.addi %mul3A_0, %arg1 : i32
    "tpu.region"() ({
      %run_scoped3A = tpu.sem_alloc : memref<!tpu.dma_semaphore, #tpu.memory_space<semaphore_mem>>
      %dma_start3A = arith.constant 0 : i32
      %dma_start3A_6 = arith.constant 0 : i32
      %dma_start3A_7 = tpu.memref_slice %arg3[%add3A, %dma_start3A, %dma_start3A_6] : memref<32x2x128xi32, #tpu.memory_space<hbm>> -> memref<1x2x128xi32, #tpu.memory_space<hbm>>
      %dma_start3A_8 = tpu.memref_squeeze %dma_start3A_7 : memref<1x2x128xi32, #tpu.memory_space<hbm>> -> memref<2x128xi32, #tpu.memory_space<hbm>>
      %dma_start3A_9 = arith.constant 0 : i32
      %dma_start3A_10 = arith.constant 0 : i32
      %dma_start3A_11 = tpu.memref_slice %arg3[%add3A, %dma_start3A_9, %dma_start3A_10] : memref<32x2x128xi32, #tpu.memory_space<hbm>> -> memref<1x2x128xi32, #tpu.memory_space<hbm>>
      %dma_start3A_12 = tpu.memref_squeeze %dma_start3A_11 : memref<1x2x128xi32, #tpu.memory_space<hbm>> -> memref<2x128xi32, #tpu.memory_space<hbm>>
      tpu.enqueue_dma source(%dma_start3A_12 : memref<2x128xi32, #tpu.memory_space<hbm>>) target(%arg5 : memref<2x128xi32, #tpu.memory_space<vmem>>) target_semaphore(%run_scoped3A : memref<!tpu.dma_semaphore, #tpu.memory_space<semaphore_mem>>)
      %dma_wait3A = arith.constant 0 : i32
      %dma_wait3A_13 = arith.constant 0 : i32
      %dma_wait3A_14 = tpu.memref_slice %arg3[%add3A, %dma_wait3A, %dma_wait3A_13] : memref<32x2x128xi32, #tpu.memory_space<hbm>> -> memref<1x2x128xi32, #tpu.memory_space<hbm>>
      %dma_wait3A_15 = tpu.memref_squeeze %dma_wait3A_14 : memref<1x2x128xi32, #tpu.memory_space<hbm>> -> memref<2x128xi32, #tpu.memory_space<hbm>>
      %dma_wait3A_16 = arith.constant 0 : i32
      %dma_wait3A_17 = arith.constant 0 : i32
      %dma_wait3A_18 = tpu.memref_slice %arg3[%add3A, %dma_wait3A_16, %dma_wait3A_17] : memref<32x2x128xi32, #tpu.memory_space<hbm>> -> memref<1x2x128xi32, #tpu.memory_space<hbm>>
      %dma_wait3A_19 = tpu.memref_squeeze %dma_wait3A_18 : memref<1x2x128xi32, #tpu.memory_space<hbm>> -> memref<2x128xi32, #tpu.memory_space<hbm>>
      tpu.wait_dma2 semaphore(%run_scoped3A : memref<!tpu.dma_semaphore, #tpu.memory_space<semaphore_mem>>) src(%dma_wait3A_19 : memref<2x128xi32, #tpu.memory_space<hbm>>) dst(%arg5 : memref<2x128xi32, #tpu.memory_space<vmem>>)
      tpu.yield
    }) : () -> ()
    %scan3A = arith.constant 0 : i32
    %scan3A_1 = arith.constant 0 : i32
    %scan3A_2 = arith.constant 2 : i32
    %scan3A_3 = arith.addi %scan3A_1, %scan3A_2 : i32
    %scan3A_4 = arith.constant 1 : i32
    scf.for %scan3A_6 = %scan3A_1 to %scan3A_3 step %scan3A_4  : i32 {
      %dma_start3A = arith.constant 0 : i32
      %dma_start3A_7 = tpu.memref_slice %arg5[%scan3A_6, %dma_start3A] : memref<2x128xi32, #tpu.memory_space<vmem>> -> memref<1x128xi32, #tpu.memory_space<vmem>>
      %dma_start3A_8 = tpu.memref_squeeze %dma_start3A_7 : memref<1x128xi32, #tpu.memory_space<vmem>> -> memref<128xi32, #tpu.memory_space<vmem>>
      %dma_start3A_9 = arith.constant 0 : i32
      %dma_start3A_10 = arith.constant 0 : i32
      %dma_start3A_11 = tpu.memref_slice %arg2[%dma_start3A_9, %dma_start3A_10] : memref<10000x128xf32, #tpu.memory_space<hbm>> -> memref<10000x128xf32, #tpu.memory_space<hbm>>
      tpu.enqueue_indirect_dma source(%dma_start3A_11 : memref<10000x128xf32, #tpu.memory_space<hbm>>) target(%arg6 : memref<128x128xf32, #tpu.memory_space<vmem>>) offsets(%dma_start3A_8 : memref<128xi32, #tpu.memory_space<vmem>>) semaphore(%arg7 : memref<!tpu.dma_semaphore, #tpu.memory_space<semaphore_mem>>)
      %dma_wait3A = arith.constant 0 : i32
      %dma_wait3A_12 = tpu.memref_slice %arg5[%scan3A_6, %dma_wait3A] : memref<2x128xi32, #tpu.memory_space<vmem>> -> memref<1x128xi32, #tpu.memory_space<vmem>>
      %dma_wait3A_13 = tpu.memref_squeeze %dma_wait3A_12 : memref<1x128xi32, #tpu.memory_space<vmem>> -> memref<128xi32, #tpu.memory_space<vmem>>
      %dma_wait3A_14 = arith.constant 0 : i32
      %dma_wait3A_15 = arith.constant 0 : i32
      %dma_wait3A_16 = tpu.memref_slice %arg2[%dma_wait3A_14, %dma_wait3A_15] : memref<10000x128xf32, #tpu.memory_space<hbm>> -> memref<10000x128xf32, #tpu.memory_space<hbm>>
      tpu.wait_indirect_dma semaphore(%arg7 : memref<!tpu.dma_semaphore, #tpu.memory_space<semaphore_mem>>) src(%dma_wait3A_16 : memref<10000x128xf32, #tpu.memory_space<hbm>>) dst(%arg6 : memref<128x128xf32, #tpu.memory_space<vmem>>)
      %mul3A_17 = arith.constant 2 : i32
      %mul3A_18 = arith.muli %add3A, %mul3A_17 : i32
      %mul3A_19 = arith.constant 128 : i32
      %mul3A_20 = arith.muli %mul3A_18, %mul3A_19 : i32
      %mul3A_21 = arith.constant 128 : i32
      %mul3A_22 = arith.muli %scan3A_6, %mul3A_21 : i32
      %add3A_23 = arith.addi %mul3A_20, %mul3A_22 : i32
      "tpu.region"() ({
        %run_scoped3A = tpu.sem_alloc : memref<!tpu.dma_semaphore, #tpu.memory_space<semaphore_mem>>
        %dma_start3A_24 = arith.constant 0 : i32
        %dma_start3A_25 = tpu.memref_slice %arg4[%add3A_23, %dma_start3A_24] : memref<8192x128xf32, #tpu.memory_space<hbm>> -> memref<128x128xf32, #tpu.memory_space<hbm>>
        %dma_start3A_26 = arith.constant 0 : i32
        %dma_start3A_27 = tpu.memref_slice %arg4[%add3A_23, %dma_start3A_26] : memref<8192x128xf32, #tpu.memory_space<hbm>> -> memref<128x128xf32, #tpu.memory_space<hbm>>
        tpu.enqueue_dma source(%arg6 : memref<128x128xf32, #tpu.memory_space<vmem>>) target(%dma_start3A_27 : memref<128x128xf32, #tpu.memory_space<hbm>>) target_semaphore(%run_scoped3A : memref<!tpu.dma_semaphore, #tpu.memory_space<semaphore_mem>>)
        %dma_wait3A_28 = arith.constant 0 : i32
        %dma_wait3A_29 = tpu.memref_slice %arg4[%add3A_23, %dma_wait3A_28] : memref<8192x128xf32, #tpu.memory_space<hbm>> -> memref<128x128xf32, #tpu.memory_space<hbm>>
        %dma_wait3A_30 = arith.constant 0 : i32
        %dma_wait3A_31 = tpu.memref_slice %arg4[%add3A_23, %dma_wait3A_30] : memref<8192x128xf32, #tpu.memory_space<hbm>> -> memref<128x128xf32, #tpu.memory_space<hbm>>
        tpu.wait_dma2 semaphore(%run_scoped3A : memref<!tpu.dma_semaphore, #tpu.memory_space<semaphore_mem>>) src(%arg6 : memref<128x128xf32, #tpu.memory_space<vmem>>) dst(%dma_wait3A_31 : memref<128x128xf32, #tpu.memory_space<hbm>>)
        tpu.yield
      }) : () -> ()
    }
    %scan3A_5 = arith.constant 2 : i32
    return
  }
}

module attributes {stable_mosaic.version = 14 : i64} {
  func.func @_combine_body(%arg0: i32, %arg1: memref<400x128xf32, #tpu.memory_space<vmem>>, %arg2: memref<400x128xf32, #tpu.memory_space<vmem>>, %arg3: memref<400x128xf32, #tpu.memory_space<vmem>>, %arg4: memref<1x128xf32, #tpu.memory_space<vmem>>, %arg5: memref<400x128xf32, #tpu.memory_space<vmem>>) attributes {dimension_semantics = [#tpu.dimension_semantics<arbitrary>], iteration_bounds = array<i64: 25>, scalar_prefetch = 0 : i64, scratch_operands = 0 : i64, tpu.core_type = #tpu.core_type<tc>, window_params = [{transform_indices = @transform_0, window_bounds = array<i64: 400, 128>}, {transform_indices = @transform_1, window_bounds = array<i64: 400, 128>}, {transform_indices = @transform_2, window_bounds = array<i64: 400, 128>}, {pipeline_mode = #tpu.pipeline_mode<synchronous>, transform_indices = @transform_3, window_bounds = array<i64: 1, 128>}, {transform_indices = @transform_4, window_bounds = array<i64: 400, 128>}]} {
    %get3A = arith.constant 0 : index
    %get3A_0 = arith.constant 0 : index
    %get3A_1 = vector.load %arg1[%get3A, %get3A_0] : memref<400x128xf32, #tpu.memory_space<vmem>>, vector<400x128xf32>
    %get3A_2 = arith.constant 0 : index
    %get3A_3 = arith.constant 0 : index
    %get3A_4 = vector.load %arg2[%get3A_2, %get3A_3] : memref<400x128xf32, #tpu.memory_space<vmem>>, vector<400x128xf32>
    %add3A = arith.addf %get3A_1, %get3A_4 : vector<400x128xf32>
    %get3A_5 = arith.constant 0 : index
    %get3A_6 = arith.constant 0 : index
    %get3A_7 = vector.load %arg3[%get3A_5, %get3A_6] : memref<400x128xf32, #tpu.memory_space<vmem>>, vector<400x128xf32>
    %add3A_8 = arith.addf %add3A, %get3A_7 : vector<400x128xf32>
    %get3A_9 = arith.constant 0 : index
    %get3A_10 = arith.constant 0 : index
    %get3A_11 = vector.load %arg4[%get3A_9, %get3A_10] : memref<1x128xf32, #tpu.memory_space<vmem>>, vector<1x128xf32>
    %add3A_12 = vector.broadcast %get3A_11 : vector<1x128xf32> to vector<400x128xf32>
    %add3A_13 = arith.addf %add3A_8, %add3A_12 : vector<400x128xf32>
    %mul3A = arith.constant 5.000000e-02 : f32
    %mul3A_14 = vector.broadcast %mul3A : f32 to vector<400x128xf32>
    %mul3A_15 = arith.mulf %mul3A_14, %add3A_13 : vector<400x128xf32>
    %max3A = arith.maximumf %add3A_13, %mul3A_15 : vector<400x128xf32>
    %swap3A = arith.constant 0 : index
    %swap3A_16 = arith.constant 0 : index
    %swap3A_17 = vector.load %arg5[%swap3A, %swap3A_16] : memref<400x128xf32, #tpu.memory_space<vmem>>, vector<400x128xf32>
    tpu.vector_store %arg5[%swap3A, %swap3A_16], %max3A {strides = array<i32>} : memref<400x128xf32, #tpu.memory_space<vmem>>, vector<400x128xf32>,
    return
  }
  func.func @transform_0(%arg0: i32) -> (i32, i32) {
    %c0_i32 = arith.constant 0 : i32
    %c0_i32_0 = arith.constant 0 : i32
    return %arg0, %c0_i32 : i32, i32
  }
  func.func @transform_1(%arg0: i32) -> (i32, i32) {
    %c0_i32 = arith.constant 0 : i32
    %c0_i32_0 = arith.constant 0 : i32
    return %arg0, %c0_i32 : i32, i32
  }
  func.func @transform_2(%arg0: i32) -> (i32, i32) {
    %c0_i32 = arith.constant 0 : i32
    %c0_i32_0 = arith.constant 0 : i32
    return %arg0, %c0_i32 : i32, i32
  }
  func.func @transform_3(%arg0: i32) -> (i32, i32) {
    %c0_i32 = arith.constant 0 : i32
    %c0_i32_0 = arith.constant 0 : i32
    %c0_i32_1 = arith.constant 0 : i32
    return %c0_i32, %c0_i32_0 : i32, i32
  }
  func.func @transform_4(%arg0: i32) -> (i32, i32) {
    %c0_i32 = arith.constant 0 : i32
    %c0_i32_0 = arith.constant 0 : i32
    return %arg0, %c0_i32 : i32, i32
  }
}

</mosaic_0001>

<sc_bundles>
// kernel: kernel.10.cloned.1.call-start
scs
__scs_entry_jumppad:
0x0: {  	(pc) =	sbr.rel $0x88, $3  }
0x1: {  	(tag) =	ssettag $0x0;
	lr =	simm.s32 $0x1  }
0x2: {  	[smem:$0x3F9C] =	sst lr;
	_ =	strace $0xD0000000  }
0x3: {  	_ = 	snop  }
0x4: {  	_ = 	snop  }
0x5: {  	_ = 	snop  }
0x6: {  	_ = 	snop  }
0x7: {  	_ = 	snop  }
__scs_overlays_trampoline_lowered:
0x8: {  	[smem:$0x3FAB] =	sst s0  }
0x9: {  	[smem:$0x3FAC] =	sst s1  }
0xa: {  	[smem:$0x3FAD] =	sst s2  }
0xb: {  	[smem:$0x3FAE] =	sst s3  }
0xc: {  	[smem:$0x3FAF] =	sst s4  }
0xd: {  	[smem:$0x3FB0] =	sst s5  }
0xe: {  	[smem:$0x3FB1] =	sst s6  }
0xf: {  	[smem:$0x3FB2] =	sst s7  }
0x10: {  	[smem:$0x3FB3] =	sst s8  }
0x11: {  	[smem:$0x3FB4] =	sst s9;
	s0 =	simm.s32 @!p0 $0x0  }
0x12: {  	s1 =	sld [smem:$0x3F9A];
	s0 =	simm.s32 @p0 $0x1  }
0x13: {  	[smem:$0x3FB5] =	sst s0;
	s0 =	simm.s32 @!p1 $0x0  }
0x14: {  	s2 =	sld [smem:$0x3F99];
	s0 =	simm.s32 @p1 $0x1  }
0x15: {  	[smem:$0x3FB6] =	sst s0;
	s0 =	simm.s32 @!p2 $0x0  }
0x16: {  	s3 =	sld [smem:$0x3FDB];
	s0 =	simm.s32 @p2 $0x1  }
0x17: {  	s4 =	simm.s32 $0x1BF5;
	[smem:$0x3FB8] =	sst s0  }
0x18: {  	s0 =	sld [smem:$0x3F9B];
	_ =	swait.ge [sflag:s4], $0x0  }
0x19: {  	s7 =	sld [smem:$0x3F9C]  }
0x1a: {  	s8 =	sadd.s32 $0xFFFFE003, lr  }
0x1b: {  	s9 =	sadd.s32 $0xFFFFFEF7, lr;
	s5 =	simm.s32 $0xFFFFFFFF;
	p2 =	slt.u32 s8, $0xFFFFF086  }
0x1c: {  	p1 =	slt.u32 s9, $0xF7A;
	s5 =	simm.s32 @!p2 $0x0  }
0x1d: {  	s5 =	simm.s32 @p1 $0x1;
	p0 =	seq.s32 s7, s2  }
0x1e: {  	s7 =	smul.u32 @!p0 $0xF7A, s2;
	p2 =	seq.s32 @!p0 s5, $0x0  }
0x1f: {  	s9 =	smul.u32 $0xF7A, s1;
	s8 =	simm.s32 @!p0 $0x1BF5;
	p2 =	por !p2, p0  }
0x20: {  	[sflag:s8] =	ssyncset.s32 @!p0 $0xFFFFF086;
	s6 =	sadd.s32 @!p0 s3, s7;
	s7 =	simm.s32 @!p0 $0x108  }
0x21: {  	s3 =	sadd.s32 s3, s9;
	s6 =	sadd.s32 @!p0 $0x88, s6;
	s7 =	simm.s32 @p2 $0x1082  }
0x22: {  	[simem:s7], [sflag:s8] =	dma.local @!p0 [hbm:s6], $0xF7A  }
0x23: {  	s9 =	sor.u32 $0xD0000000, s2;
	s6 =	simm.s32 $0x108;
	_ =	swait.ge @!p0 [sflag:s8], $0x0  }
0x24: {  	s3 =	sadd.s32 $0x88, s3;
	s6 =	simm.s32 @!p1 $0x1082;
	[sflag:s4] =	ssyncset.s32 $0xFFFFF086  }
0x25: {  	[simem:s6], [sflag:s4] =	dma.local [hbm:s3], $0xF7A  }
0x26: {  	[smem:$0x3F9C] =	sst s1;
	(tag) =	ssettag s2;
	_ =	strace s9  }
0x27: {  	s1 =	sld [smem:$0x3FAC]  }
0x28: {  	s2 =	sld [smem:$0x3FAD]  }
0x29: {  	s4 =	sld [smem:$0x3FAF]  }
0x2a: {  	p0 =	seq.s32 s5, $0x0;
	s5 =	sld [smem:$0x3FB0]  }
0x2b: {  	s6 =	sld [smem:$0x3FB1]  }
0x2c: {  	s7 =	sld [smem:$0x3FB2]  }
0x2d: {  	s3 =	simm.s32 $0x108;
	s8 =	sld [smem:$0x3FB3]  }
0x2e: {  	s3 =	simm.s32 @!p0 $0x1082;
	s9 =	sld [smem:$0x3FB4]  }
0x2f: {  	lr =	sadd.s32 s0, s3;
	s0 =	sld [smem:$0x3FAB]  }
0x30: {  	s3 =	sld [smem:$0x3FAE]  }
0x31: {  	[smem:$0x3FB7] =	sst s10  }
0x32: {  	s10 =	sld [smem:$0x3FB5];
	_ =	sdelay $0x3  }
0x33: {  	p0 =	seq.s32 s10, $0x1;
	s10 =	sld [smem:$0x3FB7];
	_ =	sdelay $0x3  }
0x34: {  	[smem:$0x3FB7] =	sst s10  }
0x35: {  	s10 =	sld [smem:$0x3FB6];
	_ =	sdelay $0x3  }
0x36: {  	p1 =	seq.s32 s10, $0x1;
	s10 =	sld [smem:$0x3FB7];
	_ =	sdelay $0x3  }
0x37: {  	[smem:$0x3FB7] =	sst s10  }
0x38: {  	s10 =	sld [smem:$0x3FB8]  }
0x39: {  	_ = 	snop;
	(pc) =	sbr.ind lr, $3  }
0x3a: {  	_ = 	snop  }
0x3b: {  	_ = 	snop  }
0x3c: {  	p2 =	seq.s32 s10, $0x1;
	s10 =	sld [smem:$0x3FB7]  }
0x3d: {  	_ =	shalt  }
0x3e: {  	_ =	shalt  }
0x3f: {  	_ =	shalt  }
0x40: {  	_ =	shalt  }
0x41: {  	_ =	shalt  }
0x42: {  	_ =	shalt  }
0x43: {  	_ =	shalt  }
0x44: {  	_ =	shalt  }
0x45: {  	_ =	shalt  }
0x46: {  	_ =	shalt  }
0x47: {  	_ =	shalt  }
0x48: {  	_ =	shalt  }
0x49: {  	_ =	shalt  }
0x4a: {  	_ =	shalt  }
0x4b: {  	_ =	shalt  }
0x4c: {  	_ =	shalt  }
0x4d: {  	_ =	shalt  }
0x4e: {  	_ =	shalt  }
0x4f: {  	_ =	shalt  }
0x50: {  	_ =	shalt  }
0x51: {  	_ =	shalt  }
0x52: {  	_ =	shalt  }
0x53: {  	_ =	shalt  }
0x54: {  	_ =	shalt  }
0x55: {  	_ =	shalt  }
0x56: {  	_ =	shalt  }
0x57: {  	_ =	shalt  }
0x58: {  	_ =	shalt  }
0x59: {  	_ =	shalt  }
0x5a: {  	_ =	shalt  }
0x5b: {  	_ =	shalt  }
0x5c: {  	_ =	shalt  }
0x5d: {  	_ =	shalt  }
0x5e: {  	_ =	shalt  }
0x5f: {  	_ =	shalt  }
0x60: {  	_ =	shalt  }
0x61: {  	_ =	shalt  }
0x62: {  	_ =	shalt  }
0x63: {  	_ =	shalt  }
0x64: {  	_ =	shalt  }
0x65: {  	_ =	shalt  }
0x66: {  	_ =	shalt  }
0x67: {  	_ =	shalt  }
0x68: {  	_ =	shalt  }
0x69: {  	_ =	shalt  }
0x6a: {  	_ =	shalt  }
0x6b: {  	_ =	shalt  }
0x6c: {  	_ =	shalt  }
0x6d: {  	_ =	shalt  }
0x6e: {  	_ =	shalt  }
0x6f: {  	_ =	shalt  }
0x70: {  	_ =	shalt  }
0x71: {  	_ =	shalt  }
0x72: {  	_ =	shalt  }
0x73: {  	_ =	shalt  }
0x74: {  	_ =	shalt  }
0x75: {  	_ =	shalt  }
0x76: {  	_ =	shalt  }
0x77: {  	_ =	shalt  }
0x78: {  	_ =	shalt  }
0x79: {  	_ =	shalt  }
0x7a: {  	_ =	shalt  }
0x7b: {  	_ =	shalt  }
0x7c: {  	_ =	shalt  }
0x7d: {  	_ =	shalt  }
0x7e: {  	_ =	shalt  }
0x7f: {  	_ =	shalt  }
0x80: {  	_ =	shalt  }
0x81: {  	_ =	shalt  }
0x82: {  	_ =	shalt  }
0x83: {  	_ =	shalt  }
0x84: {  	_ =	shalt  }
0x85: {  	_ =	shalt  }
0x86: {  	_ =	shalt  }
0x87: {  	_ =	shalt  }
.Lfunc_end0:
.L_simem_size_0:
called_computation.1_lowered:
.L_overlay_start_0:
0x88: {  	s2 =	sld [smem:$0x3FD9]  }
0x89: {  	s3 =	sld [smem:$0x3FFE];
	_ =	sdelay $0x1  }
0x8a: {  	s1 =	srdreg.scid  }
0x8b: {  	s0 =	sand.u32 $0x1, s1  }
0x8c: {  	s16 =	sshll.u32 s0, $0xA;
	s2 =	sadd.s32 s3, s2  }
0x8d: {  	s2 =	sadd.s32 s2, s16  }
0x8e: {  	[smem:$0x3FC3] =	sst s2  }
0x8f: {  	_ = 	snop  }
0x90: {  	(tm) =	ssettm $0x1  }
0x91: {  	s17 =	sld [smem:$0x3FFB];
	_ =	sdelay $0x3  }
0x92: {  	_ =	strace s17  }
0x93: {  	s2 =	sld [smem:$0x3FFC];
	_ =	sdelay $0x3  }
0x94: {  	_ =	strace s2  }
0x95: {  	s2 =	sld [smem:$0x3FFD];
	_ =	sdelay $0x3  }
0x96: {  	_ =	strace s2  }
0x97: {  	_ =	strace $0x8FFFFFFF  }
0x98: {  	s18 =	sld [smem:$0x3FDB];
	_ =	sdelay $0x1  }
0x99: {  	s19 =	simm.s32 $_scs_section_size  }
0x9a: {  	s4 =	simm.s32 $_size__tile_overlayer_lowered;
	s5 =	simm.s32 $_tile_overlayer_lowered  }
0x9b: {  	s22 =	simm.s32 $0x1BFF;
	s21 =	sshll.u32 s5, $0x1;
	s2 =	sadd.s32 s19, s18  }
0x9c: {  	s6 =	simm.s32 $0x0;
	s20 =	sshll.u32 s4, $0x1;
	s4 =	sadd.s32 s21, s2  }
0x9d: {  	[timem:s6], [sflag:s22] =	dma.local [hbm:s4], s20  }
0x9e: {  	_ =	swait.ge [sflag:s22], s20  }
0x9f: {  	s3 =	ssub.s32 $0x0, s20;
	[sflag:s22] =	ssyncset.done $0x0  }
0xa0: {  	[sflag:s22] =	ssyncadd.s32 s3;
	_ =	sdelay $0x1  }
0xa1: {  	s23 =	simm.s32 $0x1B8B  }
0xa2: {  	_ =	swait.ge [sflag:s23], $0x1  }
0xa3: {  	[sflag:s23] =	ssyncset.done $0x0  }
0xa4: {  	s25 =	simm.s32 $0x1B8E;
	s24 =	sld [smem:$0x3FFE];
	[sflag:s23] =	ssyncadd.s32 $0xFFFFFFFF  }
0xa5: {  	s26 =	simm.s32 $execute0_lowered;
	[smem:$0x3FD2] =	sst s25  }
0xa6: {  	s4 =	sshll.u32 s26, $0x1;
	_ =	strace $0x80000049;
	[dreg:$0x1] =	wrdreg $0xFFFFFFFF  }
0xa7: {  	s28 =	simm.s32 $_size_execute0_lowered;
	s2 =	sadd.s32 s2, s4;
	[dreg:$0x0] =	wrdreg $0x0  }
0xa8: {  	s4 =	sshll.u32 s28, $0x1;
	[dreg:$0x2] =	wrdreg s2  }
0xa9: {  	[dreg:$0x3] =	wrdreg s4  }
0xaa: {  	[dreg:$0x4] =	wrdreg $0xC0  }
0xab: {  	_ =	task [dreg:s6], $0x5FFFF  }
0xac: {  	[dreg:$0x1] =	wrdreg $0xFFFFFFFF  }
0xad: {  	[dreg:$0x0] =	wrdreg $0x60  }
0xae: {  	[dreg:$0x2] =	wrdreg s24  }
0xaf: {  	[dreg:$0x3] =	wrdreg $0xA0000  }
0xb0: {  	[dreg:$0x4] =	wrdreg $0x9  }
0xb1: {  	_ =	task.clear_ibuf [dreg:s6], $0x5FFFF;
	_ =	strace $0x90000049  }
0xb2: {  	s29 =	simm.s32 $0x9;
	_ =	strace $0x8000004B  }
0xb3: {  	_ =	swait.ge [sflag:s29], $0x1  }
0xb4: {  	[sflag:s29] =	ssyncadd.s32 $0xFFFFFFFF  }
0xb5: {  	_ =	strace $0x9000004B  }
0xb6: {  	_ =	sfence  }
0xb7: {  	s30 =	sld [smem:$0x0];
	_ =	sdelay $0x2  }
0xb8: {  	s31 =	sshll.u32 s1, $0xD;
	s1 =	sshrl.u32 s1, $0x2  }
0xb9: {  	s3 =	sand.u32 $0x4000, s31;
	s1 =	sadd.s32 s1, s30  }
0xba: {  	s0 =	sor.u32 s3, s0;
	s1 =	sshll.u32 s1, $0x11  }
0xbb: {  	s0 =	sor.u32 s1, s0  }
0xbc: {  	s0 =	sadd.s32 $0x8F2B, s0  }
0xbd: {  	[sflag:s0] =	ssyncadd.remote.s32 $0x1  }
0xbe: {  	_ =	sfence.sel $0xFFFF  }
0xbf: {  	[dreg:$0x0] =	wrdreg $0xFFFFFFFF;
	(pc) =	sbr.abs _section_cstart, $3  }
0xc0: {  	[dreg:$0x1] =	wrdreg $0xFFFFFFFF  }
0xc1: {  	_ =	task.clear_ibuf [dreg:s6], $0x2FFFF;
	_ =	strace $0x9FFFFFFF  }
0xc2: {  	(tm) =	ssettm $0x7FFFFFFF  }
0xc3: {  	_ =	shalt  }
tec
execute0_lowered:
.L_overlay_start_1:
0x0: {  	(tag) =	ssettag $0x1  }
0x1: {  	s5 =	rddreg [dreg:$0x0]  }
0x2: {  	s0 =	srdreg.scid;
	s2 =	rddreg [dreg:$0x1];
	s3 =	simm.s32 $0x0  }
0x3: {  	s14 =	simm.s32 $0x80;
	s9 =	sand.u32 $0x1, s0;
	s0 =	stileid.u32  }
0x4: {  	s15 =	simm.s32 $0x6000;
	s16 =	simm.s32 $0x1;
	s7 =	smul.u32 $0x13C00, s0  }
0x5: {  	s17 =	simm.s32 $0x0;
	[smem:$0x7FF] =	sst s3;
	s8 =	smul.u32 $0x13C000, s9  }
0x6: {  	s4 =	sadd.s32 $0x33800, s5;
	s1 =	sshll.u32 s9, $0x4;
	s28 =	smul.u32 $0x4F000, s0  }
0x7: {  	s11 =	ssub.s32 $0x2, s9;
	s31 =	sshll.u32 s0, $0x6;
	p0 =	seq.s32 s9, $0x0  }
0x8: {  	s9 =	simm.s32 $0x5F;
	s1 =	sor.u32 s0, s1;
	s29 =	sshrl.u32 s11, $0x1  }
0x9: {  	s9 =	simm.s32 @!p0 $0x3E;
	s6 =	smul.u32 $0x600, s1;
	s1 =	rddreg [dreg:$0x2]  }
0xa: {  	_ =	strace $0x8000004A;
	s26 =	sshrl.u32 s7, $0x3;
	s7 =	sadd.s32 s7, s8  }
0xb: {  	s30 =	sshrl.u32 s28, $0x2;
	s11 =	ssub.s32 s11, s29;
	s7 =	sshrl.u32 s7, $0x3  }
0xc: {  	s13 =	sadd.s32 s30, s2;
	s10 =	sadd.s32 s6, s5;
	s6 =	sadd.s32 s26, s5  }
0xd: {  	s11 =	smax.u32 s11, $0x1;
	s12 =	sadd.s32 s7, s5;
	s5 =	sadd.s32 $0xC000, s6  }
0xe: {  	s6 =	sor.u32 $0x1C02, s31;
	s7 =	sadd.s32 $0x8E800, s10;
	s8 =	sadd.s32 $0x82800, s10  }
0xf: {  	s10 =	sadd.s32 $0x9A800, s12;
	s12 =	sshrl.u32 s13, $0x3;
	s13 =	simm.s32 $0x2  }
.LBB2_1:
0x10: {  	[spmem:s12], [sflag:s6] =	dma.local [hbm:s5], $0x2780  }
0x11: {  	_ =	swait.ge [sflag:s13], $0x2780  }
0x12: {  	[sflag:s13] =	ssyncset.done $0x0  }
0x13: {  	[sflag:s13] =	ssyncadd.s32 $0xFFFFD880  }
0x14: {  	[bflag:$0x0] =	sbarrier.arrive $0xFFFF  }
0x15: {  	[tilespmem:s3], [sflag:$0x2] =	stream.linear.gather [hbm4b:s7+s3], $0x2F80, $0x38;
	[tilespmem:$0x1DC00] =	vst v63  }
0x16: {  	_ =	swait.ge [sflag:s13], $0x2F80  }
0x17: {  	[sflag:s13] =	ssyncset.done $0x0  }
0x18: {  	s18 =	simm.s32 $0x3000;
	[sflag:s13] =	ssyncadd.s32 $0xFFFFD080  }
0x19: {  	[tilespmem:s18], [sflag:$0x2] =	stream.linear.gather [hbm4b:s8+s3], $0x2F80, $0x38;
	[tilespmem:$0x1DC00] =	vst v63  }
0x1a: {  	_ =	swait.ge [sflag:s13], $0x2F80  }
0x1b: {  	[sflag:s13] =	ssyncset.done $0x0  }
0x1c: {  	[sflag:s13] =	ssyncadd.s32 $0xFFFFD080  }
0x1d: {  	[tilespmem:s15], [sflag:$0x1] =	stream.indirect.gather [hbm4b:s4+s14], $0x80, s3, s14, $0xb8;
	[tilespmem:$0x1DC00] =	vst v63  }
0x1e: {  	p0 =	sne.s32 s9, $0x1;
	_ =	swait.ge [sflag:s16], $0x4000  }
.Ltmp0:
0x1f: {  	[sflag:s16] =	ssyncset.done $0x0;
	(pc) =	sbr.rel @!p0 .LBB2_3-.Ltmp0, $4  }
0x20: {  	[sflag:s16] =	ssyncadd.s32 $0xFFFFC000  }
0x21: {  	[spmem:s2] =	stream.indirect.scatter.add.f32 [tilespmem:s15], [sflag:$0x2], $0x80, s18, s14, $0xb8;
	[tilespmem:$0x1DC00] =	vst v63  }
0x22: {  	_ =	swait.ge [sflag:s13], $0x4000  }
0x23: {  	s19 =	sadd.s32 $0xFFFFFFFF, s9;
	s20 =	simm.s32 $0x0;
	[sflag:s13] =	ssyncset.done $0x0  }
.LBB2_2:
0x24: {  	[sflag:s13] =	ssyncadd.s32 $0xFFFFC000;
	s20 =	sadd.s32 $0x80, s20;
	s18 =	sadd.s32 $0x80, s18  }
0x25: {  	[tilespmem:s15], [sflag:$0x1] =	stream.indirect.gather [hbm4b:s4+s14], $0x80, s20, s14, $0xb8;
	[tilespmem:$0x1DC00] =	vst v63  }
0x26: {  	p0 =	sne.s32 s19, $0x1;
	s19 =	sadd.s32 $0xFFFFFFFF, s19;
	_ =	swait.ge [sflag:s16], $0x4000  }
.Ltmp1:
0x27: {  	[sflag:s16] =	ssyncset.done $0x0;
	(pc) =	sbr.rel @p0 .LBB2_2-.Ltmp1, $4  }
0x28: {  	[sflag:s16] =	ssyncadd.s32 $0xFFFFC000  }
0x29: {  	[spmem:s2] =	stream.indirect.scatter.add.f32 [tilespmem:s15], [sflag:$0x2], $0x80, s18, s14, $0xb8;
	[tilespmem:$0x1DC00] =	vst v63  }
0x2a: {  	_ =	swait.ge [sflag:s13], $0x4000  }
0x2b: {  	[sflag:s13] =	ssyncset.done $0x0  }
.LBB2_3:
0x2c: {  	s17 =	sadd.s32 $0x1, s17  }
0x2d: {  	[sflag:s13] =	ssyncadd.s32 $0xFFFFC000;
	p0 =	sne.s32 s17, s11  }
.Ltmp2:
0x2e: {  	[bflag:$0x0] =	sbarrier.arrive $0xFFFF;
	(pc) =	sbr.rel @p0 .LBB2_1-.Ltmp2, $4  }
0x2f: {  	[hbm:s10], [sflag:s6] =	dma.local [spmem:s12], $0x2780  }
0x30: {  	_ =	swait.ge [sflag:s13], $0x2780  }
0x31: {  	[sflag:s13] =	ssyncset.done $0x0  }
0x32: {  	[sflag:s13] =	ssyncadd.s32 $0xFFFFD880  }
0x33: {  	_ =	sfence.sel $0x180000  }
0x34: {  	[bflag:$0x0] =	sbarrier.arrive $0xFFFF  }
0x35: {  	p0 =	sne.s32 s0, $0x0;
	_ =	strace $0x9000004A  }
0x36: {  	s0 =	sadd.s32 @!p0 $0x100000, s1;
	[bflag:$0x2] =	sbarrier.arrive $0xFFFF  }
0x37: {  	[sflag:s0] =	ssyncadd.tile.s32 @!p0 $0x1;
	_ =	shalt  }
.Lfunc_end2:
_tile_overlayer_lowered:
.L_overlay_start_2:
0x38: {  	(tag) =	ssettag $0x2  }
0x39: {  	s0 =	rddreg [dreg:$0x0];
	s2 =	stileid.u32  }
0x3a: {  	s1 =	rddreg [dreg:$0x1];
	p0 =	sne.s32 s2, $0x0  }
0x3b: {  	s3 =	rddreg [dreg:$0x2];
	[bflag:$0x3] =	sbarrier.arrive $0xFFFF;
	s2 =	simm.s32 @!p0 $0x1C02  }
0x3c: {  	[timem:s3], [sflag:s2] =	dma.local @!p0 [hbm:s0], s1  }
0x3d: {  	s0 =	simm.s32 @!p0 $0x2  }
0x3e: {  	_ =	swait.ge @!p0 [sflag:s0], s1  }
0x3f: {  	s1 =	ssub.s32 @!p0 $0x0, s1;
	[sflag:s0] =	ssyncset.done @!p0 $0x0  }
0x40: {  	[sflag:s0] =	ssyncadd.s32 @!p0 s1  }
0x41: {  	[bflag:$0x3] =	sbarrier.arrive $0xFFFF  }
0x42: {  	_ =	shalt  }

// kernel: kernel.13.cloned.1.call-start
scs
__scs_entry_jumppad:
0x0: {  	(pc) =	sbr.rel $0x88, $3  }
0x1: {  	(tag) =	ssettag $0x0;
	lr =	simm.s32 $0x1  }
0x2: {  	[smem:$0x3F9C] =	sst lr;
	_ =	strace $0xD0000000  }
0x3: {  	_ = 	snop  }
0x4: {  	_ = 	snop  }
0x5: {  	_ = 	snop  }
0x6: {  	_ = 	snop  }
0x7: {  	_ = 	snop  }
__scs_overlays_trampoline_lowered:
0x8: {  	[smem:$0x3FAB] =	sst s0  }
0x9: {  	[smem:$0x3FAC] =	sst s1  }
0xa: {  	[smem:$0x3FAD] =	sst s2  }
0xb: {  	[smem:$0x3FAE] =	sst s3  }
0xc: {  	[smem:$0x3FAF] =	sst s4  }
0xd: {  	[smem:$0x3FB0] =	sst s5  }
0xe: {  	[smem:$0x3FB1] =	sst s6  }
0xf: {  	[smem:$0x3FB2] =	sst s7  }
0x10: {  	[smem:$0x3FB3] =	sst s8  }
0x11: {  	[smem:$0x3FB4] =	sst s9;
	s0 =	simm.s32 @!p0 $0x0  }
0x12: {  	s1 =	sld [smem:$0x3F9A];
	s0 =	simm.s32 @p0 $0x1  }
0x13: {  	[smem:$0x3FB5] =	sst s0;
	s0 =	simm.s32 @!p1 $0x0  }
0x14: {  	s2 =	sld [smem:$0x3F99];
	s0 =	simm.s32 @p1 $0x1  }
0x15: {  	[smem:$0x3FB6] =	sst s0;
	s0 =	simm.s32 @!p2 $0x0  }
0x16: {  	s3 =	sld [smem:$0x3FDB];
	s0 =	simm.s32 @p2 $0x1  }
0x17: {  	s4 =	simm.s32 $0x1BF5;
	[smem:$0x3FB8] =	sst s0  }
0x18: {  	s0 =	sld [smem:$0x3F9B];
	_ =	swait.ge [sflag:s4], $0x0  }
0x19: {  	s7 =	sld [smem:$0x3F9C]  }
0x1a: {  	s8 =	sadd.s32 $0xFFFFE003, lr  }
0x1b: {  	s9 =	sadd.s32 $0xFFFFFEF7, lr;
	s5 =	simm.s32 $0xFFFFFFFF;
	p2 =	slt.u32 s8, $0xFFFFF086  }
0x1c: {  	p1 =	slt.u32 s9, $0xF7A;
	s5 =	simm.s32 @!p2 $0x0  }
0x1d: {  	s5 =	simm.s32 @p1 $0x1;
	p0 =	seq.s32 s7, s2  }
0x1e: {  	s7 =	smul.u32 @!p0 $0xF7A, s2;
	p2 =	seq.s32 @!p0 s5, $0x0  }
0x1f: {  	s9 =	smul.u32 $0xF7A, s1;
	s8 =	simm.s32 @!p0 $0x1BF5;
	p2 =	por !p2, p0  }
0x20: {  	[sflag:s8] =	ssyncset.s32 @!p0 $0xFFFFF086;
	s6 =	sadd.s32 @!p0 s3, s7;
	s7 =	simm.s32 @!p0 $0x108  }
0x21: {  	s3 =	sadd.s32 s3, s9;
	s6 =	sadd.s32 @!p0 $0x88, s6;
	s7 =	simm.s32 @p2 $0x1082  }
0x22: {  	[simem:s7], [sflag:s8] =	dma.local @!p0 [hbm:s6], $0xF7A  }
0x23: {  	s9 =	sor.u32 $0xD0000000, s2;
	s6 =	simm.s32 $0x108;
	_ =	swait.ge @!p0 [sflag:s8], $0x0  }
0x24: {  	s3 =	sadd.s32 $0x88, s3;
	s6 =	simm.s32 @!p1 $0x1082;
	[sflag:s4] =	ssyncset.s32 $0xFFFFF086  }
0x25: {  	[simem:s6], [sflag:s4] =	dma.local [hbm:s3], $0xF7A  }
0x26: {  	[smem:$0x3F9C] =	sst s1;
	(tag) =	ssettag s2;
	_ =	strace s9  }
0x27: {  	s1 =	sld [smem:$0x3FAC]  }
0x28: {  	s2 =	sld [smem:$0x3FAD]  }
0x29: {  	s4 =	sld [smem:$0x3FAF]  }
0x2a: {  	p0 =	seq.s32 s5, $0x0;
	s5 =	sld [smem:$0x3FB0]  }
0x2b: {  	s6 =	sld [smem:$0x3FB1]  }
0x2c: {  	s7 =	sld [smem:$0x3FB2]  }
0x2d: {  	s3 =	simm.s32 $0x108;
	s8 =	sld [smem:$0x3FB3]  }
0x2e: {  	s3 =	simm.s32 @!p0 $0x1082;
	s9 =	sld [smem:$0x3FB4]  }
0x2f: {  	lr =	sadd.s32 s0, s3;
	s0 =	sld [smem:$0x3FAB]  }
0x30: {  	s3 =	sld [smem:$0x3FAE]  }
0x31: {  	[smem:$0x3FB7] =	sst s10  }
0x32: {  	s10 =	sld [smem:$0x3FB5];
	_ =	sdelay $0x3  }
0x33: {  	p0 =	seq.s32 s10, $0x1;
	s10 =	sld [smem:$0x3FB7];
	_ =	sdelay $0x3  }
0x34: {  	[smem:$0x3FB7] =	sst s10  }
0x35: {  	s10 =	sld [smem:$0x3FB6];
	_ =	sdelay $0x3  }
0x36: {  	p1 =	seq.s32 s10, $0x1;
	s10 =	sld [smem:$0x3FB7];
	_ =	sdelay $0x3  }
0x37: {  	[smem:$0x3FB7] =	sst s10  }
0x38: {  	s10 =	sld [smem:$0x3FB8]  }
0x39: {  	_ = 	snop;
	(pc) =	sbr.ind lr, $3  }
0x3a: {  	_ = 	snop  }
0x3b: {  	_ = 	snop  }
0x3c: {  	p2 =	seq.s32 s10, $0x1;
	s10 =	sld [smem:$0x3FB7]  }
0x3d: {  	_ =	shalt  }
0x3e: {  	_ =	shalt  }
0x3f: {  	_ =	shalt  }
0x40: {  	_ =	shalt  }
0x41: {  	_ =	shalt  }
0x42: {  	_ =	shalt  }
0x43: {  	_ =	shalt  }
0x44: {  	_ =	shalt  }
0x45: {  	_ =	shalt  }
0x46: {  	_ =	shalt  }
0x47: {  	_ =	shalt  }
0x48: {  	_ =	shalt  }
0x49: {  	_ =	shalt  }
0x4a: {  	_ =	shalt  }
0x4b: {  	_ =	shalt  }
0x4c: {  	_ =	shalt  }
0x4d: {  	_ =	shalt  }
0x4e: {  	_ =	shalt  }
0x4f: {  	_ =	shalt  }
0x50: {  	_ =	shalt  }
0x51: {  	_ =	shalt  }
0x52: {  	_ =	shalt  }
0x53: {  	_ =	shalt  }
0x54: {  	_ =	shalt  }
0x55: {  	_ =	shalt  }
0x56: {  	_ =	shalt  }
0x57: {  	_ =	shalt  }
0x58: {  	_ =	shalt  }
0x59: {  	_ =	shalt  }
0x5a: {  	_ =	shalt  }
0x5b: {  	_ =	shalt  }
0x5c: {  	_ =	shalt  }
0x5d: {  	_ =	shalt  }
0x5e: {  	_ =	shalt  }
0x5f: {  	_ =	shalt  }
0x60: {  	_ =	shalt  }
0x61: {  	_ =	shalt  }
0x62: {  	_ =	shalt  }
0x63: {  	_ =	shalt  }
0x64: {  	_ =	shalt  }
0x65: {  	_ =	shalt  }
0x66: {  	_ =	shalt  }
0x67: {  	_ =	shalt  }
0x68: {  	_ =	shalt  }
0x69: {  	_ =	shalt  }
0x6a: {  	_ =	shalt  }
0x6b: {  	_ =	shalt  }
0x6c: {  	_ =	shalt  }
0x6d: {  	_ =	shalt  }
0x6e: {  	_ =	shalt  }
0x6f: {  	_ =	shalt  }
0x70: {  	_ =	shalt  }
0x71: {  	_ =	shalt  }
0x72: {  	_ =	shalt  }
0x73: {  	_ =	shalt  }
0x74: {  	_ =	shalt  }
0x75: {  	_ =	shalt  }
0x76: {  	_ =	shalt  }
0x77: {  	_ =	shalt  }
0x78: {  	_ =	shalt  }
0x79: {  	_ =	shalt  }
0x7a: {  	_ =	shalt  }
0x7b: {  	_ =	shalt  }
0x7c: {  	_ =	shalt  }
0x7d: {  	_ =	shalt  }
0x7e: {  	_ =	shalt  }
0x7f: {  	_ =	shalt  }
0x80: {  	_ =	shalt  }
0x81: {  	_ =	shalt  }
0x82: {  	_ =	shalt  }
0x83: {  	_ =	shalt  }
0x84: {  	_ =	shalt  }
0x85: {  	_ =	shalt  }
0x86: {  	_ =	shalt  }
0x87: {  	_ =	shalt  }
.Lfunc_end0:
.L_simem_size_0:
called_computation.2_lowered:
.L_overlay_start_0:
0x88: {  	s2 =	sld [smem:$0x3FD9]  }
0x89: {  	s3 =	sld [smem:$0x3FFE];
	_ =	sdelay $0x1  }
0x8a: {  	s1 =	srdreg.scid  }
0x8b: {  	s0 =	sand.u32 $0x1, s1  }
0x8c: {  	s17 =	sshll.u32 s0, $0xA;
	s2 =	sadd.s32 s3, s2  }
0x8d: {  	s2 =	sadd.s32 s2, s17  }
0x8e: {  	[smem:$0x3FC3] =	sst s2  }
0x8f: {  	_ = 	snop  }
0x90: {  	s2 =	sld [smem:$0x3FD0];
	(tm) =	ssettm $0x1  }
0x91: {  	s18 =	sld [smem:$0x3FFB];
	_ =	sdelay $0x3  }
0x92: {  	_ =	strace s18  }
0x93: {  	s3 =	sld [smem:$0x3FFC];
	_ =	sdelay $0x3  }
0x94: {  	_ =	strace s3  }
0x95: {  	s3 =	sld [smem:$0x3FFD];
	_ =	sdelay $0x3  }
0x96: {  	_ =	strace s3  }
0x97: {  	_ =	strace $0x8FFFFFFF  }
0x98: {  	s19 =	sld [smem:$0x3FDB];
	_ =	sdelay $0x1  }
0x99: {  	s4 =	simm.s32 $_scs_section_size  }
0x9a: {  	s5 =	simm.s32 $_size__tile_overlayer_lowered;
	s6 =	simm.s32 $_tile_overlayer_lowered  }
0x9b: {  	s22 =	simm.s32 $0x1BFF;
	s21 =	sshll.u32 s6, $0x1;
	s3 =	sadd.s32 s4, s19  }
0x9c: {  	s7 =	simm.s32 $0x0;
	s20 =	sshll.u32 s5, $0x1;
	s5 =	sadd.s32 s21, s3  }
0x9d: {  	[timem:s7], [sflag:s22] =	dma.local [hbm:s5], s20  }
0x9e: {  	_ =	swait.ge [sflag:s22], s20  }
0x9f: {  	s4 =	ssub.s32 $0x0, s20;
	[sflag:s22] =	ssyncset.done $0x0  }
0xa0: {  	[sflag:s22] =	ssyncadd.s32 s4;
	_ =	sdelay $0x1  }
0xa1: {  	s23 =	simm.s32 $0x1B8B  }
0xa2: {  	_ =	swait.ge [sflag:s23], $0x1  }
0xa3: {  	[sflag:s23] =	ssyncset.done $0x0  }
0xa4: {  	s25 =	simm.s32 $0x1B8E;
	s24 =	sld [smem:$0x3FFE];
	[sflag:s23] =	ssyncadd.s32 $0xFFFFFFFF  }
0xa5: {  	s26 =	simm.s32 $execute0_lowered;
	[smem:$0x3FD2] =	sst s25  }
0xa6: {  	s5 =	sshll.u32 s26, $0x1;
	_ =	strace $0x8000004C;
	[dreg:$0x1] =	wrdreg $0xFFFFFFFF  }
0xa7: {  	s28 =	simm.s32 $_size_execute0_lowered;
	s3 =	sadd.s32 s3, s5;
	[dreg:$0x0] =	wrdreg $0x0  }
0xa8: {  	s5 =	sshll.u32 s28, $0x1;
	[dreg:$0x2] =	wrdreg s3  }
0xa9: {  	[dreg:$0x3] =	wrdreg s5  }
0xaa: {  	[dreg:$0x4] =	wrdreg $0xC0  }
0xab: {  	_ =	task [dreg:s7], $0x5FFFF  }
0xac: {  	[dreg:$0x1] =	wrdreg $0xFFFFFFFF  }
0xad: {  	[dreg:$0x0] =	wrdreg $0x60  }
0xae: {  	[dreg:$0x2] =	wrdreg s24  }
0xaf: {  	[dreg:$0x3] =	wrdreg s2  }
0xb0: {  	[dreg:$0x4] =	wrdreg $0x9  }
0xb1: {  	_ =	task.clear_ibuf [dreg:s7], $0x5FFFF;
	_ =	strace $0x9000004C  }
0xb2: {  	s29 =	simm.s32 $0x9;
	_ =	strace $0x8000004E  }
0xb3: {  	_ =	swait.ge [sflag:s29], $0x1  }
0xb4: {  	[sflag:s29] =	ssyncadd.s32 $0xFFFFFFFF  }
0xb5: {  	_ =	strace $0x9000004E  }
0xb6: {  	_ =	sfence  }
0xb7: {  	s30 =	sld [smem:$0x0];
	_ =	sdelay $0x2  }
0xb8: {  	s31 =	sshll.u32 s1, $0xD;
	s1 =	sshrl.u32 s1, $0x2  }
0xb9: {  	s3 =	sand.u32 $0x4000, s31;
	s1 =	sadd.s32 s1, s30  }
0xba: {  	s0 =	sor.u32 s3, s0;
	s1 =	sshll.u32 s1, $0x11  }
0xbb: {  	s0 =	sor.u32 s1, s0  }
0xbc: {  	s0 =	sadd.s32 $0x8F2B, s0  }
0xbd: {  	[sflag:s0] =	ssyncadd.remote.s32 $0x1  }
0xbe: {  	_ =	sfence.sel $0xFFFF  }
0xbf: {  	[dreg:$0x0] =	wrdreg $0xFFFFFFFF;
	(pc) =	sbr.abs _section_cstart, $3  }
0xc0: {  	[dreg:$0x1] =	wrdreg $0xFFFFFFFF  }
0xc1: {  	_ =	task.clear_ibuf [dreg:s7], $0x2FFFF;
	_ =	strace $0x9FFFFFFF  }
0xc2: {  	(tm) =	ssettm $0x7FFFFFFF  }
0xc3: {  	_ =	shalt  }
tec
execute0_lowered:
.L_overlay_start_1:
0x0: {  	(tag) =	ssettag $0x1  }
0x1: {  	s1 =	srdreg.scid  }
0x2: {  	s2 =	rddreg [dreg:$0x0];
	s0 =	stileid.u32;
	s10 =	sand.u32 $0x1, s1  }
0x3: {  	s4 =	rddreg [dreg:$0x1];
	s6 =	sshll.u32 s0, $0x8;
	s5 =	sshll.u32 s10, $0xC  }
0x4: {  	s3 =	simm.s32 $0x0;
	s1 =	rddreg [dreg:$0x2];
	s9 =	sor.u32 s6, s5  }
0x5: {  	[smem:$0x7FF] =	sst s3;
	s5 =	sshrl.u32 s9, $0x3  }
0x6: {  	_ =	strace $0x8000004D;
	s5 =	sadd.s32 s4, s5;
	s4 =	simm.s32 $0x2  }
0x7: {  	[tilespmem:s3], [sflag:$0x2] =	stream.linear.gather [hbm4b:s5+s3], $0x100, $0x38;
	[tilespmem:$0x4100] =	vst v63  }
0x8: {  	_ =	swait.ge [sflag:s4], $0x100  }
0x9: {  	s7 =	simm.s32 $0x100;
	[sflag:s4] =	ssyncset.done $0x0  }
0xa: {  	s8 =	simm.s32 $0x1;
	s6 =	simm.s32 $0x80;
	[sflag:s4] =	ssyncadd.s32 $0xFFFFFF00  }
0xb: {  	[tilespmem:s7], [sflag:$0x1] =	stream.indirect.gather [hbm4b:s2+s6], $0x80, s3, s6, $0xb8;
	[tilespmem:$0x4100] =	vst v63  }
0xc: {  	s9 =	sshll.u32 s9, $0x4;
	_ =	swait.ge [sflag:s8], $0x4000  }
0xd: {  	s11 =	sadd.s32 s9, s2;
	[sflag:s8] =	ssyncset.done $0x0  }
0xe: {  	s10 =	ssub.s32 $0x2, s10;
	s9 =	sadd.s32 $0x27200, s11;
	[sflag:s8] =	ssyncadd.s32 $0xFFFFC000  }
0xf: {  	[hbm4b:s9+s3] =	stream.linear.scatter [tilespmem:s7], [sflag:$0x2], $0x4000, $0x38;
	[tilespmem:$0x4100] =	vst v63  }
0x10: {  	s12 =	sshrl.u32 s10, $0x1;
	_ =	swait.ge [sflag:s4], $0x4000  }
0x11: {  	s10 =	ssub.s32 s10, s12;
	[sflag:s4] =	ssyncset.done $0x0  }
0x12: {  	s12 =	smax.u32 s10, $0x1;
	[sflag:s4] =	ssyncadd.s32 $0xFFFFC000  }
0x13: {  	[tilespmem:s7], [sflag:$0x1] =	stream.indirect.gather [hbm4b:s2+s6], $0x80, s6, s6, $0xb8;
	[tilespmem:$0x4100] =	vst v63  }
0x14: {  	p0 =	sne.s32 s12, $0x1;
	_ =	swait.ge [sflag:s8], $0x4000  }
.Ltmp0:
0x15: {  	[sflag:s8] =	ssyncset.done $0x0;
	(pc) =	sbr.rel @!p0 .LBB2_2-.Ltmp0, $4  }
0x16: {  	s10 =	sadd.s32 $0x27A00, s11;
	[sflag:s8] =	ssyncadd.s32 $0xFFFFC000  }
0x17: {  	[hbm4b:s10+s3] =	stream.linear.scatter [tilespmem:s7], [sflag:$0x2], $0x4000, $0x38;
	[tilespmem:$0x4100] =	vst v63  }
0x18: {  	_ =	swait.ge [sflag:s4], $0x4000  }
0x19: {  	s11 =	sadd.s32 $0xFFFFFFFF, s12;
	[sflag:s4] =	ssyncset.done $0x0  }
.LBB2_1:
0x1a: {  	p0 =	sne.s32 s11, $0x1;
	s11 =	sadd.s32 $0xFFFFFFFF, s11;
	[sflag:s4] =	ssyncadd.s32 $0xFFFFC000  }
0x1b: {  	[tilespmem:s3], [sflag:$0x2] =	stream.linear.gather [hbm4b:s5+s3], $0x100, $0x38;
	[tilespmem:$0x4100] =	vst v63  }
0x1c: {  	_ =	swait.ge [sflag:s4], $0x100  }
0x1d: {  	[sflag:s4] =	ssyncset.done $0x0  }
0x1e: {  	[sflag:s4] =	ssyncadd.s32 $0xFFFFFF00  }
0x1f: {  	[tilespmem:s7], [sflag:$0x1] =	stream.indirect.gather [hbm4b:s2+s6], $0x80, s3, s6, $0xb8;
	[tilespmem:$0x4100] =	vst v63  }
0x20: {  	_ =	swait.ge [sflag:s8], $0x4000  }
0x21: {  	[sflag:s8] =	ssyncset.done $0x0  }
0x22: {  	[sflag:s8] =	ssyncadd.s32 $0xFFFFC000  }
0x23: {  	[hbm4b:s9+s3] =	stream.linear.scatter [tilespmem:s7], [sflag:$0x2], $0x4000, $0x38;
	[tilespmem:$0x4100] =	vst v63  }
0x24: {  	_ =	swait.ge [sflag:s4], $0x4000  }
0x25: {  	[sflag:s4] =	ssyncset.done $0x0  }
0x26: {  	[sflag:s4] =	ssyncadd.s32 $0xFFFFC000  }
0x27: {  	[tilespmem:s7], [sflag:$0x1] =	stream.indirect.gather [hbm4b:s2+s6], $0x80, s6, s6, $0xb8;
	[tilespmem:$0x4100] =	vst v63  }
0x28: {  	_ =	swait.ge [sflag:s8], $0x4000  }
.Ltmp1:
0x29: {  	[sflag:s8] =	ssyncset.done $0x0;
	(pc) =	sbr.rel @p0 .LBB2_1-.Ltmp1, $4  }
0x2a: {  	[sflag:s8] =	ssyncadd.s32 $0xFFFFC000  }
0x2b: {  	[hbm4b:s10+s3] =	stream.linear.scatter [tilespmem:s7], [sflag:$0x2], $0x4000, $0x38;
	[tilespmem:$0x4100] =	vst v63  }
0x2c: {  	_ =	swait.ge [sflag:s4], $0x4000  }
0x2d: {  	[sflag:s4] =	ssyncset.done $0x0  }
.LBB2_2:
0x2e: {  	[sflag:s4] =	ssyncadd.s32 $0xFFFFC000  }
0x2f: {  	_ =	sfence.sel $0x180000  }
0x30: {  	[bflag:$0x0] =	sbarrier.arrive $0xFFFF  }
0x31: {  	p0 =	sne.s32 s0, $0x0;
	_ =	strace $0x9000004D  }
0x32: {  	s0 =	sadd.s32 @!p0 $0x100000, s1;
	[bflag:$0x2] =	sbarrier.arrive $0xFFFF  }
0x33: {  	[sflag:s0] =	ssyncadd.tile.s32 @!p0 $0x1;
	_ =	shalt  }
.Lfunc_end2:
_tile_overlayer_lowered:
.L_overlay_start_2:
0x34: {  	(tag) =	ssettag $0x2  }
0x35: {  	s0 =	rddreg [dreg:$0x0];
	s2 =	stileid.u32  }
0x36: {  	s1 =	rddreg [dreg:$0x1];
	p0 =	sne.s32 s2, $0x0  }
0x37: {  	s3 =	rddreg [dreg:$0x2];
	[bflag:$0x3] =	sbarrier.arrive $0xFFFF;
	s2 =	simm.s32 @!p0 $0x1C02  }
0x38: {  	[timem:s3], [sflag:s2] =	dma.local @!p0 [hbm:s0], s1  }
0x39: {  	s0 =	simm.s32 @!p0 $0x2  }
0x3a: {  	_ =	swait.ge @!p0 [sflag:s0], s1  }
0x3b: {  	s1 =	ssub.s32 @!p0 $0x0, s1;
	[sflag:s0] =	ssyncset.done @!p0 $0x0  }
0x3c: {  	[sflag:s0] =	ssyncadd.s32 @!p0 s1  }
0x3d: {  	[bflag:$0x3] =	sbarrier.arrive $0xFFFF  }
0x3e: {  	_ =	shalt  }

// kernel: kernel.7.cloned.1.call-start
scs
__scs_entry_jumppad:
0x0: {  	(pc) =	sbr.rel $0x88, $3  }
0x1: {  	(tag) =	ssettag $0x0;
	lr =	simm.s32 $0x1  }
0x2: {  	[smem:$0x3F9C] =	sst lr;
	_ =	strace $0xD0000000  }
0x3: {  	_ = 	snop  }
0x4: {  	_ = 	snop  }
0x5: {  	_ = 	snop  }
0x6: {  	_ = 	snop  }
0x7: {  	_ = 	snop  }
__scs_overlays_trampoline_lowered:
0x8: {  	[smem:$0x3FAB] =	sst s0  }
0x9: {  	[smem:$0x3FAC] =	sst s1  }
0xa: {  	[smem:$0x3FAD] =	sst s2  }
0xb: {  	[smem:$0x3FAE] =	sst s3  }
0xc: {  	[smem:$0x3FAF] =	sst s4  }
0xd: {  	[smem:$0x3FB0] =	sst s5  }
0xe: {  	[smem:$0x3FB1] =	sst s6  }
0xf: {  	[smem:$0x3FB2] =	sst s7  }
0x10: {  	[smem:$0x3FB3] =	sst s8  }
0x11: {  	[smem:$0x3FB4] =	sst s9;
	s0 =	simm.s32 @!p0 $0x0  }
0x12: {  	s1 =	sld [smem:$0x3F9A];
	s0 =	simm.s32 @p0 $0x1  }
0x13: {  	[smem:$0x3FB5] =	sst s0;
	s0 =	simm.s32 @!p1 $0x0  }
0x14: {  	s2 =	sld [smem:$0x3F99];
	s0 =	simm.s32 @p1 $0x1  }
0x15: {  	[smem:$0x3FB6] =	sst s0;
	s0 =	simm.s32 @!p2 $0x0  }
0x16: {  	s3 =	sld [smem:$0x3FDB];
	s0 =	simm.s32 @p2 $0x1  }
0x17: {  	s4 =	simm.s32 $0x1BF5;
	[smem:$0x3FB8] =	sst s0  }
0x18: {  	s0 =	sld [smem:$0x3F9B];
	_ =	swait.ge [sflag:s4], $0x0  }
0x19: {  	s7 =	sld [smem:$0x3F9C]  }
0x1a: {  	s8 =	sadd.s32 $0xFFFFE003, lr  }
0x1b: {  	s9 =	sadd.s32 $0xFFFFFEF7, lr;
	s5 =	simm.s32 $0xFFFFFFFF;
	p2 =	slt.u32 s8, $0xFFFFF086  }
0x1c: {  	p1 =	slt.u32 s9, $0xF7A;
	s5 =	simm.s32 @!p2 $0x0  }
0x1d: {  	s5 =	simm.s32 @p1 $0x1;
	p0 =	seq.s32 s7, s2  }
0x1e: {  	s7 =	smul.u32 @!p0 $0xF7A, s2;
	p2 =	seq.s32 @!p0 s5, $0x0  }
0x1f: {  	s9 =	smul.u32 $0xF7A, s1;
	s8 =	simm.s32 @!p0 $0x1BF5;
	p2 =	por !p2, p0  }
0x20: {  	[sflag:s8] =	ssyncset.s32 @!p0 $0xFFFFF086;
	s6 =	sadd.s32 @!p0 s3, s7;
	s7 =	simm.s32 @!p0 $0x108  }
0x21: {  	s3 =	sadd.s32 s3, s9;
	s6 =	sadd.s32 @!p0 $0x88, s6;
	s7 =	simm.s32 @p2 $0x1082  }
0x22: {  	[simem:s7], [sflag:s8] =	dma.local @!p0 [hbm:s6], $0xF7A  }
0x23: {  	s9 =	sor.u32 $0xD0000000, s2;
	s6 =	simm.s32 $0x108;
	_ =	swait.ge @!p0 [sflag:s8], $0x0  }
0x24: {  	s3 =	sadd.s32 $0x88, s3;
	s6 =	simm.s32 @!p1 $0x1082;
	[sflag:s4] =	ssyncset.s32 $0xFFFFF086  }
0x25: {  	[simem:s6], [sflag:s4] =	dma.local [hbm:s3], $0xF7A  }
0x26: {  	[smem:$0x3F9C] =	sst s1;
	(tag) =	ssettag s2;
	_ =	strace s9  }
0x27: {  	s1 =	sld [smem:$0x3FAC]  }
0x28: {  	s2 =	sld [smem:$0x3FAD]  }
0x29: {  	s4 =	sld [smem:$0x3FAF]  }
0x2a: {  	p0 =	seq.s32 s5, $0x0;
	s5 =	sld [smem:$0x3FB0]  }
0x2b: {  	s6 =	sld [smem:$0x3FB1]  }
0x2c: {  	s7 =	sld [smem:$0x3FB2]  }
0x2d: {  	s3 =	simm.s32 $0x108;
	s8 =	sld [smem:$0x3FB3]  }
0x2e: {  	s3 =	simm.s32 @!p0 $0x1082;
	s9 =	sld [smem:$0x3FB4]  }
0x2f: {  	lr =	sadd.s32 s0, s3;
	s0 =	sld [smem:$0x3FAB]  }
0x30: {  	s3 =	sld [smem:$0x3FAE]  }
0x31: {  	[smem:$0x3FB7] =	sst s10  }
0x32: {  	s10 =	sld [smem:$0x3FB5];
	_ =	sdelay $0x3  }
0x33: {  	p0 =	seq.s32 s10, $0x1;
	s10 =	sld [smem:$0x3FB7];
	_ =	sdelay $0x3  }
0x34: {  	[smem:$0x3FB7] =	sst s10  }
0x35: {  	s10 =	sld [smem:$0x3FB6];
	_ =	sdelay $0x3  }
0x36: {  	p1 =	seq.s32 s10, $0x1;
	s10 =	sld [smem:$0x3FB7];
	_ =	sdelay $0x3  }
0x37: {  	[smem:$0x3FB7] =	sst s10  }
0x38: {  	s10 =	sld [smem:$0x3FB8]  }
0x39: {  	_ = 	snop;
	(pc) =	sbr.ind lr, $3  }
0x3a: {  	_ = 	snop  }
0x3b: {  	_ = 	snop  }
0x3c: {  	p2 =	seq.s32 s10, $0x1;
	s10 =	sld [smem:$0x3FB7]  }
0x3d: {  	_ =	shalt  }
0x3e: {  	_ =	shalt  }
0x3f: {  	_ =	shalt  }
0x40: {  	_ =	shalt  }
0x41: {  	_ =	shalt  }
0x42: {  	_ =	shalt  }
0x43: {  	_ =	shalt  }
0x44: {  	_ =	shalt  }
0x45: {  	_ =	shalt  }
0x46: {  	_ =	shalt  }
0x47: {  	_ =	shalt  }
0x48: {  	_ =	shalt  }
0x49: {  	_ =	shalt  }
0x4a: {  	_ =	shalt  }
0x4b: {  	_ =	shalt  }
0x4c: {  	_ =	shalt  }
0x4d: {  	_ =	shalt  }
0x4e: {  	_ =	shalt  }
0x4f: {  	_ =	shalt  }
0x50: {  	_ =	shalt  }
0x51: {  	_ =	shalt  }
0x52: {  	_ =	shalt  }
0x53: {  	_ =	shalt  }
0x54: {  	_ =	shalt  }
0x55: {  	_ =	shalt  }
0x56: {  	_ =	shalt  }
0x57: {  	_ =	shalt  }
0x58: {  	_ =	shalt  }
0x59: {  	_ =	shalt  }
0x5a: {  	_ =	shalt  }
0x5b: {  	_ =	shalt  }
0x5c: {  	_ =	shalt  }
0x5d: {  	_ =	shalt  }
0x5e: {  	_ =	shalt  }
0x5f: {  	_ =	shalt  }
0x60: {  	_ =	shalt  }
0x61: {  	_ =	shalt  }
0x62: {  	_ =	shalt  }
0x63: {  	_ =	shalt  }
0x64: {  	_ =	shalt  }
0x65: {  	_ =	shalt  }
0x66: {  	_ =	shalt  }
0x67: {  	_ =	shalt  }
0x68: {  	_ =	shalt  }
0x69: {  	_ =	shalt  }
0x6a: {  	_ =	shalt  }
0x6b: {  	_ =	shalt  }
0x6c: {  	_ =	shalt  }
0x6d: {  	_ =	shalt  }
0x6e: {  	_ =	shalt  }
0x6f: {  	_ =	shalt  }
0x70: {  	_ =	shalt  }
0x71: {  	_ =	shalt  }
0x72: {  	_ =	shalt  }
0x73: {  	_ =	shalt  }
0x74: {  	_ =	shalt  }
0x75: {  	_ =	shalt  }
0x76: {  	_ =	shalt  }
0x77: {  	_ =	shalt  }
0x78: {  	_ =	shalt  }
0x79: {  	_ =	shalt  }
0x7a: {  	_ =	shalt  }
0x7b: {  	_ =	shalt  }
0x7c: {  	_ =	shalt  }
0x7d: {  	_ =	shalt  }
0x7e: {  	_ =	shalt  }
0x7f: {  	_ =	shalt  }
0x80: {  	_ =	shalt  }
0x81: {  	_ =	shalt  }
0x82: {  	_ =	shalt  }
0x83: {  	_ =	shalt  }
0x84: {  	_ =	shalt  }
0x85: {  	_ =	shalt  }
0x86: {  	_ =	shalt  }
0x87: {  	_ =	shalt  }
.Lfunc_end0:
.L_simem_size_0:
called_computation_lowered:
.L_overlay_start_0:
0x88: {  	s2 =	sld [smem:$0x3FD9]  }
0x89: {  	s3 =	sld [smem:$0x3FFE];
	_ =	sdelay $0x1  }
0x8a: {  	s1 =	srdreg.scid  }
0x8b: {  	s0 =	sand.u32 $0x1, s1  }
0x8c: {  	s17 =	sshll.u32 s0, $0xA;
	s2 =	sadd.s32 s3, s2  }
0x8d: {  	s2 =	sadd.s32 s2, s17  }
0x8e: {  	[smem:$0x3FC3] =	sst s2  }
0x8f: {  	_ = 	snop  }
0x90: {  	s2 =	sld [smem:$0x3FC9]  }
0x91: {  	s18 =	sld [smem:$0x3FD0];
	(tm) =	ssettm $0x1  }
0x92: {  	s4 =	sld [smem:$0x3FFB];
	_ =	sdelay $0x3  }
0x93: {  	_ =	strace s4  }
0x94: {  	s4 =	sld [smem:$0x3FFC];
	_ =	sdelay $0x3  }
0x95: {  	_ =	strace s4  }
0x96: {  	s4 =	sld [smem:$0x3FFD];
	_ =	sdelay $0x3  }
0x97: {  	_ =	strace s4  }
0x98: {  	_ =	strace $0x8FFFFFFF  }
0x99: {  	s19 =	sld [smem:$0x3FDB];
	_ =	sdelay $0x1  }
0x9a: {  	s5 =	simm.s32 $_scs_section_size  }
0x9b: {  	s6 =	simm.s32 $_size__tile_overlayer_lowered;
	s7 =	simm.s32 $_tile_overlayer_lowered  }
0x9c: {  	s22 =	simm.s32 $0x1BFF;
	s21 =	sshll.u32 s7, $0x1;
	s4 =	sadd.s32 s5, s19  }
0x9d: {  	s8 =	simm.s32 $0x0;
	s20 =	sshll.u32 s6, $0x1;
	s6 =	sadd.s32 s21, s4  }
0x9e: {  	[timem:s8], [sflag:s22] =	dma.local [hbm:s6], s20  }
0x9f: {  	_ =	swait.ge [sflag:s22], s20  }
0xa0: {  	s5 =	ssub.s32 $0x0, s20;
	[sflag:s22] =	ssyncset.done $0x0  }
0xa1: {  	[sflag:s22] =	ssyncadd.s32 s5;
	_ =	sdelay $0x1  }
0xa2: {  	s23 =	simm.s32 $0x1B8B  }
0xa3: {  	_ =	swait.ge [sflag:s23], $0x1  }
0xa4: {  	[sflag:s23] =	ssyncset.done $0x0  }
0xa5: {  	s25 =	simm.s32 $0x1B8E;
	s24 =	sld [smem:$0x3FFE];
	[sflag:s23] =	ssyncadd.s32 $0xFFFFFFFF  }
0xa6: {  	s26 =	simm.s32 $execute0_lowered;
	[smem:$0x3FD2] =	sst s25  }
0xa7: {  	s6 =	sshll.u32 s26, $0x1;
	_ =	strace $0x80000046;
	[dreg:$0x1] =	wrdreg $0xFFFFFFFF  }
0xa8: {  	s28 =	simm.s32 $_size_execute0_lowered;
	s4 =	sadd.s32 s4, s6;
	[dreg:$0x0] =	wrdreg $0x0  }
0xa9: {  	s6 =	sshll.u32 s28, $0x1;
	[dreg:$0x2] =	wrdreg s4  }
0xaa: {  	[dreg:$0x3] =	wrdreg s6  }
0xab: {  	[dreg:$0x4] =	wrdreg $0xC0  }
0xac: {  	_ =	task [dreg:s8], $0x5FFFF  }
0xad: {  	[dreg:$0x1] =	wrdreg $0xFFFFFFFF  }
0xae: {  	[dreg:$0x0] =	wrdreg $0x60  }
0xaf: {  	[dreg:$0x2] =	wrdreg s2  }
0xb0: {  	[dreg:$0x3] =	wrdreg s18  }
0xb1: {  	[dreg:$0x4] =	wrdreg s24  }
0xb2: {  	[dreg:$0x5] =	wrdreg $0xA0000  }
0xb3: {  	[dreg:$0x6] =	wrdreg $0x9  }
0xb4: {  	_ =	task.clear_ibuf [dreg:s8], $0x7FFFF;
	_ =	strace $0x90000046  }
0xb5: {  	s29 =	simm.s32 $0x9;
	_ =	strace $0x80000048  }
0xb6: {  	_ =	swait.ge [sflag:s29], $0x1  }
0xb7: {  	[sflag:s29] =	ssyncadd.s32 $0xFFFFFFFF  }
0xb8: {  	_ =	strace $0x90000048  }
0xb9: {  	_ =	sfence  }
0xba: {  	s30 =	sld [smem:$0x0];
	_ =	sdelay $0x2  }
0xbb: {  	s31 =	sshll.u32 s1, $0xD;
	s1 =	sshrl.u32 s1, $0x2  }
0xbc: {  	s3 =	sand.u32 $0x4000, s31;
	s1 =	sadd.s32 s1, s30  }
0xbd: {  	s0 =	sor.u32 s3, s0;
	s1 =	sshll.u32 s1, $0x11  }
0xbe: {  	s0 =	sor.u32 s1, s0  }
0xbf: {  	s0 =	sadd.s32 $0x8F2B, s0  }
0xc0: {  	[sflag:s0] =	ssyncadd.remote.s32 $0x1  }
0xc1: {  	_ =	sfence.sel $0xFFFF  }
0xc2: {  	[dreg:$0x0] =	wrdreg $0xFFFFFFFF;
	(pc) =	sbr.abs _section_cstart, $3  }
0xc3: {  	[dreg:$0x1] =	wrdreg $0xFFFFFFFF  }
0xc4: {  	_ =	task.clear_ibuf [dreg:s8], $0x2FFFF;
	_ =	strace $0x9FFFFFFF  }
0xc5: {  	(tm) =	ssettm $0x7FFFFFFF  }
tec
execute0_lowered:
.L_overlay_start_1:
0x0: {  	(tag) =	ssettag $0x1  }
0x1: {  	s1 =	rddreg [dreg:$0x0]  }
0x2: {  	s7 =	rddreg [dreg:$0x1]  }
0x3: {  	s8 =	rddreg [dreg:$0x2];
	s0 =	stileid.u32  }
0x4: {  	s2 =	srdreg.scid;
	s3 =	rddreg [dreg:$0x3];
	s4 =	simm.s32 $0x0  }
0x5: {  	s15 =	simm.s32 $0x6000;
	s16 =	simm.s32 $0x1;
	s17 =	simm.s32 $0x0  }
0x6: {  	s5 =	smul.u32 $0x13C00, s0;
	s9 =	sand.u32 $0x1, s2;
	s2 =	rddreg [dreg:$0x4]  }
0x7: {  	[smem:$0x7FF] =	sst s4;
	s29 =	smul.u32 $0x4F000, s0;
	s31 =	sshll.u32 s0, $0x6  }
0x8: {  	s6 =	smul.u32 $0x13C000, s9;
	_ =	strace $0x80000047;
	s11 =	sshll.u32 s9, $0x4  }
0x9: {  	s30 =	ssub.s32 $0x2, s9;
	p0 =	seq.s32 s9, $0x0;
	s9 =	simm.s32 $0x5F  }
0xa: {  	s10 =	sshrl.u32 s5, $0x3;
	s11 =	sor.u32 s0, s11;
	s13 =	sshrl.u32 s30, $0x1  }
0xb: {  	s9 =	simm.s32 @!p0 $0x3E;
	s10 =	sadd.s32 s10, s8;
	s5 =	sadd.s32 s5, s6  }
0xc: {  	s6 =	sshrl.u32 s29, $0x2;
	s11 =	smul.u32 $0x600, s11;
	s13 =	ssub.s32 s30, s13  }
0xd: {  	s5 =	sshrl.u32 s5, $0x3;
	s14 =	sadd.s32 s6, s3;
	s6 =	sor.u32 $0x1C02, s31  }
0xe: {  	s12 =	sadd.s32 s5, s8;
	s5 =	sadd.s32 $0xC000, s10;
	s7 =	sadd.s32 s7, s11  }
0xf: {  	s8 =	sadd.s32 s8, s11;
	s11 =	smax.u32 s13, $0x1;
	s13 =	simm.s32 $0x2  }
0x10: {  	s10 =	sadd.s32 $0x33800, s12;
	s12 =	sshrl.u32 s14, $0x3;
	s14 =	simm.s32 $0x80  }
.LBB2_1:
0x11: {  	[spmem:s12], [sflag:s6] =	dma.local [hbm:s5], $0x2780  }
0x12: {  	_ =	swait.ge [sflag:s13], $0x2780  }
0x13: {  	[sflag:s13] =	ssyncset.done $0x0  }
0x14: {  	[sflag:s13] =	ssyncadd.s32 $0xFFFFD880  }
0x15: {  	[bflag:$0x0] =	sbarrier.arrive $0xFFFF  }
0x16: {  	[tilespmem:s4], [sflag:$0x2] =	stream.linear.gather [hbm4b:s7+s4], $0x2F80, $0x38;
	[tilespmem:$0x1DC00] =	vst v63  }
0x17: {  	_ =	swait.ge [sflag:s13], $0x2F80  }
0x18: {  	[sflag:s13] =	ssyncset.done $0x0  }
0x19: {  	s18 =	simm.s32 $0x3000;
	[sflag:s13] =	ssyncadd.s32 $0xFFFFD080  }
0x1a: {  	[tilespmem:s18], [sflag:$0x2] =	stream.linear.gather [hbm4b:s8+s4], $0x2F80, $0x38;
	[tilespmem:$0x1DC00] =	vst v63  }
0x1b: {  	_ =	swait.ge [sflag:s13], $0x2F80  }
0x1c: {  	[sflag:s13] =	ssyncset.done $0x0  }
0x1d: {  	[sflag:s13] =	ssyncadd.s32 $0xFFFFD080  }
0x1e: {  	[tilespmem:s15], [sflag:$0x1] =	stream.indirect.gather [hbm4b:s1+s14], $0x80, s4, s14, $0xb8;
	[tilespmem:$0x1DC00] =	vst v63  }
0x1f: {  	p0 =	sne.s32 s9, $0x1;
	_ =	swait.ge [sflag:s16], $0x4000  }
.Ltmp0:
0x20: {  	[sflag:s16] =	ssyncset.done $0x0;
	(pc) =	sbr.rel @!p0 .LBB2_3-.Ltmp0, $4  }
0x21: {  	[sflag:s16] =	ssyncadd.s32 $0xFFFFC000  }
0x22: {  	[spmem:s3] =	stream.indirect.scatter.add.f32 [tilespmem:s15], [sflag:$0x2], $0x80, s18, s14, $0xb8;
	[tilespmem:$0x1DC00] =	vst v63  }
0x23: {  	_ =	swait.ge [sflag:s13], $0x4000  }
0x24: {  	s19 =	sadd.s32 $0xFFFFFFFF, s9;
	s20 =	simm.s32 $0x0;
	[sflag:s13] =	ssyncset.done $0x0  }
.LBB2_2:
0x25: {  	[sflag:s13] =	ssyncadd.s32 $0xFFFFC000;
	s20 =	sadd.s32 $0x80, s20;
	s18 =	sadd.s32 $0x80, s18  }
0x26: {  	[tilespmem:s15], [sflag:$0x1] =	stream.indirect.gather [hbm4b:s1+s14], $0x80, s20, s14, $0xb8;
	[tilespmem:$0x1DC00] =	vst v63  }
0x27: {  	p0 =	sne.s32 s19, $0x1;
	s19 =	sadd.s32 $0xFFFFFFFF, s19;
	_ =	swait.ge [sflag:s16], $0x4000  }
.Ltmp1:
0x28: {  	[sflag:s16] =	ssyncset.done $0x0;
	(pc) =	sbr.rel @p0 .LBB2_2-.Ltmp1, $4  }
0x29: {  	[sflag:s16] =	ssyncadd.s32 $0xFFFFC000  }
0x2a: {  	[spmem:s3] =	stream.indirect.scatter.add.f32 [tilespmem:s15], [sflag:$0x2], $0x80, s18, s14, $0xb8;
	[tilespmem:$0x1DC00] =	vst v63  }
0x2b: {  	_ =	swait.ge [sflag:s13], $0x4000  }
0x2c: {  	[sflag:s13] =	ssyncset.done $0x0  }
.LBB2_3:
0x2d: {  	s17 =	sadd.s32 $0x1, s17  }
0x2e: {  	[sflag:s13] =	ssyncadd.s32 $0xFFFFC000;
	p0 =	sne.s32 s17, s11  }
.Ltmp2:
0x2f: {  	[bflag:$0x0] =	sbarrier.arrive $0xFFFF;
	(pc) =	sbr.rel @p0 .LBB2_1-.Ltmp2, $4  }
0x30: {  	[hbm:s10], [sflag:s6] =	dma.local [spmem:s12], $0x2780  }
0x31: {  	_ =	swait.ge [sflag:s13], $0x2780  }
0x32: {  	[sflag:s13] =	ssyncset.done $0x0  }
0x33: {  	[sflag:s13] =	ssyncadd.s32 $0xFFFFD880  }
0x34: {  	_ =	sfence.sel $0x180000  }
0x35: {  	[bflag:$0x0] =	sbarrier.arrive $0xFFFF  }
0x36: {  	p0 =	sne.s32 s0, $0x0;
	_ =	strace $0x90000047  }
0x37: {  	s0 =	sadd.s32 @!p0 $0x100000, s2;
	[bflag:$0x2] =	sbarrier.arrive $0xFFFF  }
0x38: {  	[sflag:s0] =	ssyncadd.tile.s32 @!p0 $0x1;
	_ =	shalt  }
.Lfunc_end2:
_tile_overlayer_lowered:
.L_overlay_start_2:
0x39: {  	(tag) =	ssettag $0x2  }
0x3a: {  	s0 =	rddreg [dreg:$0x0];
	s2 =	stileid.u32  }
0x3b: {  	s1 =	rddreg [dreg:$0x1];
	p0 =	sne.s32 s2, $0x0  }
0x3c: {  	s3 =	rddreg [dreg:$0x2];
	[bflag:$0x3] =	sbarrier.arrive $0xFFFF;
	s2 =	simm.s32 @!p0 $0x1C02  }
0x3d: {  	[timem:s3], [sflag:s2] =	dma.local @!p0 [hbm:s0], s1  }
0x3e: {  	s0 =	simm.s32 @!p0 $0x2  }
0x3f: {  	_ =	swait.ge @!p0 [sflag:s0], s1  }
0x40: {  	s1 =	ssub.s32 @!p0 $0x0, s1;
	[sflag:s0] =	ssyncset.done @!p0 $0x0  }
0x41: {  	[sflag:s0] =	ssyncadd.s32 @!p0 s1  }
0x42: {  	[bflag:$0x3] =	sbarrier.arrive $0xFFFF  }
0x43: {  	_ =	shalt  }

</sc_bundles>
